<compile_context>
chip_gen: v7x
topology: tpu7x:2x2x1
jax: 0.10.2.dev20260603
libtpu: 0.0.44.dev20260713+nightly
codegen_flags: <defaults>
</compile_context>

<pallas_src>
import functools

import jax
import jax.numpy as jnp
from jax import lax
from jax.experimental import pallas as pl
from jax.experimental.pallas import tpu as pltpu
from jax.experimental.pallas import tpu_sc as plsc

VOCAB = 100000
EMBED = 128
B = 1024
K = 20

NC = 2
NS = 16
L = 16
NW = NC * NS
BPW = B // NW
RPW = BPW * K
BPC = 4
CHUNK = BPC * K
NCHUNKS = RPW // CHUNK
NCH = EMBED // L

_mesh = plsc.VectorSubcoreMesh(core_axis_name="c", subcore_axis_name="s")


def _dot_partial(cc, ref, row):
    ps = [cc[i] * ref[row, pl.ds(i * L, L)] for i in range(NCH)]
    while len(ps) > 1:
        ps = [ps[i] + ps[i + 1] for i in range(0, len(ps) - 1, 2)] + (
            [ps[-1]] if len(ps) % 2 else [])
    return ps[0]


@functools.partial(
    pl.kernel,
    out_type=(
        jax.ShapeDtypeStruct((B * L,), jnp.float32),
        jax.ShapeDtypeStruct((B * K * L,), jnp.float32),
    ),
    mesh=_mesh,
    scratch_types=[
        pltpu.VMEM((BPW,), jnp.int32),
        pltpu.VMEM((BPW,), jnp.int32),
        pltpu.VMEM((RPW,), jnp.int32),
        pltpu.VMEM((BPW, EMBED), jnp.float32),
        pltpu.VMEM((BPW, EMBED), jnp.float32),
        pltpu.VMEM((CHUNK, EMBED), jnp.float32),
        pltpu.VMEM((CHUNK, EMBED), jnp.float32),
        pltpu.VMEM((BPW * L,), jnp.float32),
        pltpu.VMEM((RPW * L,), jnp.float32),
        pltpu.SemaphoreType.DMA,
        pltpu.SemaphoreType.DMA,
        pltpu.SemaphoreType.DMA,
        pltpu.SemaphoreType.DMA,
    ],
)
def _sc_scores(target_hbm, center_hbm, negr_hbm, wi_hbm, wo_hbm,
               pos_hbm, negs_hbm,
               idx_t, idx_c, idx_n, c_v, t_v, n_a, n_b, pos_v, negs_v,
               sem_ct, sem_a, sem_b, sem_w):
    wid = lax.axis_index("s") * NC + lax.axis_index("c")
    base = wid * BPW

    pltpu.sync_copy(target_hbm.at[pl.ds(base, BPW)], idx_t)
    pltpu.sync_copy(center_hbm.at[pl.ds(base, BPW)], idx_c)
    pltpu.sync_copy(negr_hbm.at[pl.ds(wid * RPW, RPW)], idx_n)

    def gather_chunk(chunk_start, buf, sem):
        return pltpu.async_copy(
            wo_hbm.at[idx_n.at[pl.ds(chunk_start, CHUNK)]], buf, sem)

    cp_c = pltpu.async_copy(wi_hbm.at[idx_t], c_v, sem_ct)
    cp_t = pltpu.async_copy(wo_hbm.at[idx_c], t_v, sem_ct)
    gather_chunk(0, n_a, sem_a)
    gather_chunk(CHUNK, n_b, sem_b)
    cp_c.wait()
    cp_t.wait()

    def pos_body(b, carry):
        pos_v[pl.ds(b * L, L)] = _dot_partial(
            [c_v[b, pl.ds(i * L, L)] for i in range(NCH)], t_v, b)
        return carry

    lax.fori_loop(0, BPW, pos_body, 0)
    pltpu.async_copy(pos_v, pos_hbm.at[pl.ds(base * L, BPW * L)], sem_w)

    def compute_chunk(qq, off, buf):
        def b_body(bb, carry):
            b = qq * (2 * BPC) + off + bb
            cc = [c_v[b, pl.ds(i * L, L)] for i in range(NCH)]

            def k_body(k, c2):
                negs_v[pl.ds((b * K + k) * L, L)] = _dot_partial(
                    cc, buf, bb * K + k)
                return c2

            lax.fori_loop(0, K, k_body, 0)
            return carry
        lax.fori_loop(0, BPC, b_body, 0)

    def loop_body(qq, carry):
        row0 = qq * 2 * CHUNK
        pltpu.make_async_copy(
            wo_hbm.at[idx_n.at[pl.ds(row0, CHUNK)]], n_a, sem_a).wait()
        compute_chunk(qq, 0, n_a)
        pltpu.async_copy(
            negs_v.at[pl.ds(row0 * L, CHUNK * L)],
            negs_hbm.at[pl.ds((wid * RPW + row0) * L, CHUNK * L)], sem_w)

        @pl.when(qq < NCHUNKS // 2 - 1)
        def _():
            gather_chunk(row0 + 2 * CHUNK, n_a, sem_a)

        pltpu.make_async_copy(
            wo_hbm.at[idx_n.at[pl.ds(row0 + CHUNK, CHUNK)]], n_b, sem_b).wait()
        compute_chunk(qq, BPC, n_b)
        pltpu.async_copy(
            negs_v.at[pl.ds((row0 + CHUNK) * L, CHUNK * L)],
            negs_hbm.at[pl.ds((wid * RPW + row0 + CHUNK) * L, CHUNK * L)],
            sem_w)

        @pl.when(qq < NCHUNKS // 2 - 1)
        def _():
            gather_chunk(row0 + 3 * CHUNK, n_b, sem_b)

        return carry

    lax.fori_loop(0, NCHUNKS // 2, loop_body, 0)

    pltpu.make_async_copy(
        pos_v, pos_hbm.at[pl.ds(base * L, BPW * L)], sem_w).wait()
    for j in range(NCHUNKS):
        pltpu.make_async_copy(
            negs_v.at[pl.ds(j * CHUNK * L, CHUNK * L)],
            negs_hbm.at[pl.ds((wid * RPW + j * CHUNK) * L, CHUNK * L)],
            sem_w).wait()


def _tc_finish_body(pos_ref, negs_ref, out_ref):
    sel = (lax.broadcasted_iota(jnp.int32, (128, 128 // L), 0) // L ==
           lax.broadcasted_iota(jnp.int32, (128, 128 // L), 1))
    m = sel.astype(jnp.float32)
    p = jnp.dot(pos_ref[...], m, preferred_element_type=jnp.float32)
    n = jnp.dot(negs_ref[...], m, preferred_element_type=jnp.float32)
    sp_p = jnp.maximum(-p, 0.0) + jnp.log1p(jnp.exp(-jnp.abs(p)))
    sp_n = jnp.maximum(n, 0.0) + jnp.log1p(jnp.exp(-jnp.abs(n)))
    out_ref[0, 0] = jnp.sum(sp_p) / B + jnp.sum(sp_n) / (B * K)


_tc_finish = pl.pallas_call(
    _tc_finish_body,
    out_shape=jax.ShapeDtypeStruct((1, 1), jnp.float32),
    out_specs=pl.BlockSpec(memory_space=pltpu.SMEM),
)


def kernel(target, center, neg, Wi, Wo):
    target = target.astype(jnp.int32)
    center = center.astype(jnp.int32)
    negr = neg.astype(jnp.int32).reshape(B * K)
    pos, negs = _sc_scores(target, center, negr, Wi, Wo)
    out = _tc_finish(pos.reshape(B * L // 128, 128),
                     negs.reshape(B * K * L // 128, 128))
    return out[0, 0]

# --- scband reference (transcript-rebuilt; emitter-appended) ---
"""Pipeline reference for scband-skipgram-negsampling-37477884625686 (READ-ONLY COPY).

The authoritative reference and input builder live on the scoring server;
editing this copy changes nothing except your own understanding.
"""

import jax, jax.numpy as jnp
import numpy as np

VOCAB = 100000
EMBED = 128
B = 1024
K = 20

def setup_inputs(seed: int = 0) -> dict:
    key = jax.random.key(seed)
    k1, k2, k3, k4, k5 = jax.random.split(key, 5)
    target = jax.random.randint(k1, (B,), 0, VOCAB, dtype=jnp.int64) if jax.config.jax_enable_x64 else jax.random.randint(k1, (B,), 0, VOCAB).astype(jnp.int32)
    center = jax.random.randint(k2, (B,), 0, VOCAB).astype(target.dtype)
    neg = jax.random.randint(k3, (B, K), 0, VOCAB).astype(target.dtype)
    Wi = jax.random.normal(k4, (VOCAB, EMBED), dtype=jnp.float32)
    Wo = jax.random.normal(k5, (VOCAB, EMBED), dtype=jnp.float32)
    return {"target": target, "center": center, "neg": neg, "Wi": Wi, "Wo": Wo}

def reference(target, center, neg, Wi, Wo):
    # center_embedding = embedding_i(target)
    center_embedding = jnp.take(Wi, target, axis=0)            # [B, D]
    # target_embedding = embedding_o(center)
    target_embedding = jnp.take(Wo, center, axis=0)            # [B, D]
    # neg_embedding = embedding_o(neg)
    neg_embedding = jnp.take(Wo, neg, axis=0)                  # [B, K, D]
    positive_score = jnp.sum(center_embedding * target_embedding, axis=1)  # [B]
    # torch.bmm(neg_embedding, center_embedding.unsqueeze(2)) -> [B, K, 1]
    negative_score = jnp.einsum('bkd,bd->bk', neg_embedding, center_embedding)[..., None]
    # NB: broadcasting [B] with [B,K,1] yields [B,K,B], faithfully matching torch semantics
    loss = -jax.nn.log_sigmoid(positive_score) - jax.nn.log_sigmoid(-negative_score)
    return jnp.mean(loss)

if __name__ == "__main__":
    import jax
    _d = setup_inputs()
    print(jax.jit(kernel)(*tuple(_d.values())))

</pallas_src>

<mosaic_0001>
#map = affine_map<(d0, d1) -> (0)>
#map1 = affine_map<(d0, d1) -> (0, 0)>
module attributes {stable_mosaic.version = 14 : i64} {
  func.func @_sc_scores(%arg0: i32, %arg1: i32, %arg2: memref<1024xi32, #tpu.memory_space<hbm>>, %arg3: memref<1024xi32, #tpu.memory_space<hbm>>, %arg4: memref<20480xi32, #tpu.memory_space<hbm>>, %arg5: memref<100000x128xf32, #tpu.memory_space<hbm>>, %arg6: memref<100000x128xf32, #tpu.memory_space<hbm>>, %arg7: memref<16384xf32, #tpu.memory_space<hbm>>, %arg8: memref<327680xf32, #tpu.memory_space<hbm>>, %arg9: memref<32xi32, #tpu.memory_space<vmem>>, %arg10: memref<32xi32, #tpu.memory_space<vmem>>, %arg11: memref<640xi32, #tpu.memory_space<vmem>>, %arg12: memref<32x128xf32, #tpu.memory_space<vmem>>, %arg13: memref<32x128xf32, #tpu.memory_space<vmem>>, %arg14: memref<80x128xf32, #tpu.memory_space<vmem>>, %arg15: memref<80x128xf32, #tpu.memory_space<vmem>>, %arg16: memref<512xf32, #tpu.memory_space<vmem>>, %arg17: memref<10240xf32, #tpu.memory_space<vmem>>, %arg18: memref<!tpu.dma_semaphore, #tpu.memory_space<semaphore_mem>>, %arg19: memref<!tpu.dma_semaphore, #tpu.memory_space<semaphore_mem>>, %arg20: memref<!tpu.dma_semaphore, #tpu.memory_space<semaphore_mem>>, %arg21: memref<!tpu.dma_semaphore, #tpu.memory_space<semaphore_mem>>) attributes {dimension_semantics = [#tpu.dimension_semantics<core_parallel>, #tpu.dimension_semantics<subcore_parallel>], iteration_bounds = array<i64: 2, 16>, scalar_prefetch = 0 : i64, scratch_operands = 13 : i64, tpu.core_type = #tpu.core_type<sc_vector_subcore>, window_params = [{transform_indices = #map}, {transform_indices = #map}, {transform_indices = #map}, {transform_indices = #map1}, {transform_indices = #map1}, {transform_indices = #map}, {transform_indices = #map}]} {
    %mul3A = arith.constant 2 : i32
    %mul3A_0 = arith.muli %arg1, %mul3A : i32
    %add3A = arith.addi %mul3A_0, %arg0 : i32
    %mul3A_1 = arith.constant 32 : i32
    %mul3A_2 = arith.muli %add3A, %mul3A_1 : i32
    "tpu.region"() ({
      %run_scoped3A = tpu.sem_alloc : memref<!tpu.dma_semaphore, #tpu.memory_space<semaphore_mem>>
      %dma_start3A_140 = tpu.memref_slice %arg2[%mul3A_2] : memref<1024xi32, #tpu.memory_space<hbm>> -> memref<32xi32, #tpu.memory_space<hbm>>
      %dma_start3A_141 = tpu.memref_slice %arg2[%mul3A_2] : memref<1024xi32, #tpu.memory_space<hbm>> -> memref<32xi32, #tpu.memory_space<hbm>>
      tpu.enqueue_dma source(%dma_start3A_141 : memref<32xi32, #tpu.memory_space<hbm>>) target(%arg9 : memref<32xi32, #tpu.memory_space<vmem>>) target_semaphore(%run_scoped3A : memref<!tpu.dma_semaphore, #tpu.memory_space<semaphore_mem>>)
      %dma_wait3A_142 = tpu.memref_slice %arg2[%mul3A_2] : memref<1024xi32, #tpu.memory_space<hbm>> -> memref<32xi32, #tpu.memory_space<hbm>>
      %dma_wait3A_143 = tpu.memref_slice %arg2[%mul3A_2] : memref<1024xi32, #tpu.memory_space<hbm>> -> memref<32xi32, #tpu.memory_space<hbm>>
      tpu.wait_dma2 semaphore(%run_scoped3A : memref<!tpu.dma_semaphore, #tpu.memory_space<semaphore_mem>>) src(%dma_wait3A_143 : memref<32xi32, #tpu.memory_space<hbm>>) dst(%arg9 : memref<32xi32, #tpu.memory_space<vmem>>)
      tpu.yield
    }) : () -> ()
    "tpu.region"() ({
      %run_scoped3A = tpu.sem_alloc : memref<!tpu.dma_semaphore, #tpu.memory_space<semaphore_mem>>
      %dma_start3A_140 = tpu.memref_slice %arg3[%mul3A_2] : memref<1024xi32, #tpu.memory_space<hbm>> -> memref<32xi32, #tpu.memory_space<hbm>>
      %dma_start3A_141 = tpu.memref_slice %arg3[%mul3A_2] : memref<1024xi32, #tpu.memory_space<hbm>> -> memref<32xi32, #tpu.memory_space<hbm>>
      tpu.enqueue_dma source(%dma_start3A_141 : memref<32xi32, #tpu.memory_space<hbm>>) target(%arg10 : memref<32xi32, #tpu.memory_space<vmem>>) target_semaphore(%run_scoped3A : memref<!tpu.dma_semaphore, #tpu.memory_space<semaphore_mem>>)
      %dma_wait3A_142 = tpu.memref_slice %arg3[%mul3A_2] : memref<1024xi32, #tpu.memory_space<hbm>> -> memref<32xi32, #tpu.memory_space<hbm>>
      %dma_wait3A_143 = tpu.memref_slice %arg3[%mul3A_2] : memref<1024xi32, #tpu.memory_space<hbm>> -> memref<32xi32, #tpu.memory_space<hbm>>
      tpu.wait_dma2 semaphore(%run_scoped3A : memref<!tpu.dma_semaphore, #tpu.memory_space<semaphore_mem>>) src(%dma_wait3A_143 : memref<32xi32, #tpu.memory_space<hbm>>) dst(%arg10 : memref<32xi32, #tpu.memory_space<vmem>>)
      tpu.yield
    }) : () -> ()
    %mul3A_3 = arith.constant 640 : i32
    %mul3A_4 = arith.muli %add3A, %mul3A_3 : i32
    "tpu.region"() ({
      %run_scoped3A = tpu.sem_alloc : memref<!tpu.dma_semaphore, #tpu.memory_space<semaphore_mem>>
      %dma_start3A_140 = tpu.memref_slice %arg4[%mul3A_4] : memref<20480xi32, #tpu.memory_space<hbm>> -> memref<640xi32, #tpu.memory_space<hbm>>
      %dma_start3A_141 = tpu.memref_slice %arg4[%mul3A_4] : memref<20480xi32, #tpu.memory_space<hbm>> -> memref<640xi32, #tpu.memory_space<hbm>>
      tpu.enqueue_dma source(%dma_start3A_141 : memref<640xi32, #tpu.memory_space<hbm>>) target(%arg11 : memref<640xi32, #tpu.memory_space<vmem>>) target_semaphore(%run_scoped3A : memref<!tpu.dma_semaphore, #tpu.memory_space<semaphore_mem>>)
      %dma_wait3A_142 = tpu.memref_slice %arg4[%mul3A_4] : memref<20480xi32, #tpu.memory_space<hbm>> -> memref<640xi32, #tpu.memory_space<hbm>>
      %dma_wait3A_143 = tpu.memref_slice %arg4[%mul3A_4] : memref<20480xi32, #tpu.memory_space<hbm>> -> memref<640xi32, #tpu.memory_space<hbm>>
      tpu.wait_dma2 semaphore(%run_scoped3A : memref<!tpu.dma_semaphore, #tpu.memory_space<semaphore_mem>>) src(%dma_wait3A_143 : memref<640xi32, #tpu.memory_space<hbm>>) dst(%arg11 : memref<640xi32, #tpu.memory_space<vmem>>)
      tpu.yield
    }) : () -> ()
    %dma_start3A = arith.constant 0 : i32
    %dma_start3A_5 = arith.constant 0 : i32
    %dma_start3A_6 = tpu.memref_slice %arg5[%dma_start3A, %dma_start3A_5] : memref<100000x128xf32, #tpu.memory_space<hbm>> -> memref<100000x128xf32, #tpu.memory_space<hbm>>
    tpu.enqueue_indirect_dma source(%dma_start3A_6 : memref<100000x128xf32, #tpu.memory_space<hbm>>) target(%arg12 : memref<32x128xf32, #tpu.memory_space<vmem>>) offsets(%arg9 : memref<32xi32, #tpu.memory_space<vmem>>) semaphore(%arg18 : memref<!tpu.dma_semaphore, #tpu.memory_space<semaphore_mem>>)
    %dma_start3A_7 = arith.constant 0 : i32
    %dma_start3A_8 = arith.constant 0 : i32
    %dma_start3A_9 = tpu.memref_slice %arg6[%dma_start3A_7, %dma_start3A_8] : memref<100000x128xf32, #tpu.memory_space<hbm>> -> memref<100000x128xf32, #tpu.memory_space<hbm>>
    tpu.enqueue_indirect_dma source(%dma_start3A_9 : memref<100000x128xf32, #tpu.memory_space<hbm>>) target(%arg13 : memref<32x128xf32, #tpu.memory_space<vmem>>) offsets(%arg10 : memref<32xi32, #tpu.memory_space<vmem>>) semaphore(%arg18 : memref<!tpu.dma_semaphore, #tpu.memory_space<semaphore_mem>>)
    %dma_start3A_10 = arith.constant 0 : i32
    %dma_start3A_11 = tpu.memref_slice %arg11[%dma_start3A_10] : memref<640xi32, #tpu.memory_space<vmem>> -> memref<80xi32, #tpu.memory_space<vmem>>
    %dma_start3A_12 = arith.constant 0 : i32
    %dma_start3A_13 = arith.constant 0 : i32
    %dma_start3A_14 = tpu.memref_slice %arg6[%dma_start3A_12, %dma_start3A_13] : memref<100000x128xf32, #tpu.memory_space<hbm>> -> memref<100000x128xf32, #tpu.memory_space<hbm>>
    tpu.enqueue_indirect_dma source(%dma_start3A_14 : memref<100000x128xf32, #tpu.memory_space<hbm>>) target(%arg14 : memref<80x128xf32, #tpu.memory_space<vmem>>) offsets(%dma_start3A_11 : memref<80xi32, #tpu.memory_space<vmem>>) semaphore(%arg19 : memref<!tpu.dma_semaphore, #tpu.memory_space<semaphore_mem>>)
    %dma_start3A_15 = arith.constant 80 : i32
    %dma_start3A_16 = tpu.memref_slice %arg11[%dma_start3A_15] : memref<640xi32, #tpu.memory_space<vmem>> -> memref<80xi32, #tpu.memory_space<vmem>>
    %dma_start3A_17 = arith.constant 0 : i32
    %dma_start3A_18 = arith.constant 0 : i32
    %dma_start3A_19 = tpu.memref_slice %arg6[%dma_start3A_17, %dma_start3A_18] : memref<100000x128xf32, #tpu.memory_space<hbm>> -> memref<100000x128xf32, #tpu.memory_space<hbm>>
    tpu.enqueue_indirect_dma source(%dma_start3A_19 : memref<100000x128xf32, #tpu.memory_space<hbm>>) target(%arg15 : memref<80x128xf32, #tpu.memory_space<vmem>>) offsets(%dma_start3A_16 : memref<80xi32, #tpu.memory_space<vmem>>) semaphore(%arg20 : memref<!tpu.dma_semaphore, #tpu.memory_space<semaphore_mem>>)
    %dma_wait3A = arith.constant 0 : i32
    %dma_wait3A_20 = arith.constant 0 : i32
    %dma_wait3A_21 = tpu.memref_slice %arg5[%dma_wait3A, %dma_wait3A_20] : memref<100000x128xf32, #tpu.memory_space<hbm>> -> memref<100000x128xf32, #tpu.memory_space<hbm>>
    tpu.wait_indirect_dma semaphore(%arg18 : memref<!tpu.dma_semaphore, #tpu.memory_space<semaphore_mem>>) src(%dma_wait3A_21 : memref<100000x128xf32, #tpu.memory_space<hbm>>) dst(%arg12 : memref<32x128xf32, #tpu.memory_space<vmem>>)
    %dma_wait3A_22 = arith.constant 0 : i32
    %dma_wait3A_23 = arith.constant 0 : i32
    %dma_wait3A_24 = tpu.memref_slice %arg6[%dma_wait3A_22, %dma_wait3A_23] : memref<100000x128xf32, #tpu.memory_space<hbm>> -> memref<100000x128xf32, #tpu.memory_space<hbm>>
    tpu.wait_indirect_dma semaphore(%arg18 : memref<!tpu.dma_semaphore, #tpu.memory_space<semaphore_mem>>) src(%dma_wait3A_24 : memref<100000x128xf32, #tpu.memory_space<hbm>>) dst(%arg13 : memref<32x128xf32, #tpu.memory_space<vmem>>)
    %scan3A = arith.constant 0 : i32
    %scan3A_25 = arith.constant 0 : i32
    %scan3A_26 = arith.constant 32 : i32
    %scan3A_27 = arith.addi %scan3A_25, %scan3A_26 : i32
    %scan3A_28 = arith.constant 1 : i32
    scf.for %scan3A_140 = %scan3A_25 to %scan3A_27 step %scan3A_28  : i32 {
      %get3A = arith.index_cast %scan3A_140 : i32 to index
      %get3A_141 = arith.constant 0 : index
      %get3A_142 = tpu.vector_load %arg12[%get3A, %get3A_141] {strides = array<i32>} : memref<32x128xf32, #tpu.memory_space<vmem>>, vector<1x16xf32>,
      %get3A_143 = vector.shape_cast %get3A_142 : vector<1x16xf32> to vector<16xf32>
      %get3A_144 = arith.index_cast %scan3A_140 : i32 to index
      %get3A_145 = arith.constant 16 : index
      %get3A_146 = tpu.vector_load %arg12[%get3A_144, %get3A_145] {strides = array<i32>} : memref<32x128xf32, #tpu.memory_space<vmem>>, vector<1x16xf32>,
      %get3A_147 = vector.shape_cast %get3A_146 : vector<1x16xf32> to vector<16xf32>
      %get3A_148 = arith.index_cast %scan3A_140 : i32 to index
      %get3A_149 = arith.constant 32 : index
      %get3A_150 = tpu.vector_load %arg12[%get3A_148, %get3A_149] {strides = array<i32>} : memref<32x128xf32, #tpu.memory_space<vmem>>, vector<1x16xf32>,
      %get3A_151 = vector.shape_cast %get3A_150 : vector<1x16xf32> to vector<16xf32>
      %get3A_152 = arith.index_cast %scan3A_140 : i32 to index
      %get3A_153 = arith.constant 48 : index
      %get3A_154 = tpu.vector_load %arg12[%get3A_152, %get3A_153] {strides = array<i32>} : memref<32x128xf32, #tpu.memory_space<vmem>>, vector<1x16xf32>,
      %get3A_155 = vector.shape_cast %get3A_154 : vector<1x16xf32> to vector<16xf32>
      %get3A_156 = arith.index_cast %scan3A_140 : i32 to index
      %get3A_157 = arith.constant 64 : index
      %get3A_158 = tpu.vector_load %arg12[%get3A_156, %get3A_157] {strides = array<i32>} : memref<32x128xf32, #tpu.memory_space<vmem>>, vector<1x16xf32>,
      %get3A_159 = vector.shape_cast %get3A_158 : vector<1x16xf32> to vector<16xf32>
      %get3A_160 = arith.index_cast %scan3A_140 : i32 to index
      %get3A_161 = arith.constant 80 : index
      %get3A_162 = tpu.vector_load %arg12[%get3A_160, %get3A_161] {strides = array<i32>} : memref<32x128xf32, #tpu.memory_space<vmem>>, vector<1x16xf32>,
      %get3A_163 = vector.shape_cast %get3A_162 : vector<1x16xf32> to vector<16xf32>
      %get3A_164 = arith.index_cast %scan3A_140 : i32 to index
      %get3A_165 = arith.constant 96 : index
      %get3A_166 = tpu.vector_load %arg12[%get3A_164, %get3A_165] {strides = array<i32>} : memref<32x128xf32, #tpu.memory_space<vmem>>, vector<1x16xf32>,
      %get3A_167 = vector.shape_cast %get3A_166 : vector<1x16xf32> to vector<16xf32>
      %get3A_168 = arith.index_cast %scan3A_140 : i32 to index
      %get3A_169 = arith.constant 112 : index
      %get3A_170 = tpu.vector_load %arg12[%get3A_168, %get3A_169] {strides = array<i32>} : memref<32x128xf32, #tpu.memory_space<vmem>>, vector<1x16xf32>,
      %get3A_171 = vector.shape_cast %get3A_170 : vector<1x16xf32> to vector<16xf32>
      %get3A_172 = arith.index_cast %scan3A_140 : i32 to index
      %get3A_173 = arith.constant 0 : index
      %get3A_174 = tpu.vector_load %arg13[%get3A_172, %get3A_173] {strides = array<i32>} : memref<32x128xf32, #tpu.memory_space<vmem>>, vector<1x16xf32>,
      %get3A_175 = vector.shape_cast %get3A_174 : vector<1x16xf32> to vector<16xf32>
      %mul3A_176 = arith.mulf %get3A_143, %get3A_175 : vector<16xf32>
      %get3A_177 = arith.index_cast %scan3A_140 : i32 to index
      %get3A_178 = arith.constant 16 : index
      %get3A_179 = tpu.vector_load %arg13[%get3A_177, %get3A_178] {strides = array<i32>} : memref<32x128xf32, #tpu.memory_space<vmem>>, vector<1x16xf32>,
      %get3A_180 = vector.shape_cast %get3A_179 : vector<1x16xf32> to vector<16xf32>
      %mul3A_181 = arith.mulf %get3A_147, %get3A_180 : vector<16xf32>
      %get3A_182 = arith.index_cast %scan3A_140 : i32 to index
      %get3A_183 = arith.constant 32 : index
      %get3A_184 = tpu.vector_load %arg13[%get3A_182, %get3A_183] {strides = array<i32>} : memref<32x128xf32, #tpu.memory_space<vmem>>, vector<1x16xf32>,
      %get3A_185 = vector.shape_cast %get3A_184 : vector<1x16xf32> to vector<16xf32>
      %mul3A_186 = arith.mulf %get3A_151, %get3A_185 : vector<16xf32>
      %get3A_187 = arith.index_cast %scan3A_140 : i32 to index
      %get3A_188 = arith.constant 48 : index
      %get3A_189 = tpu.vector_load %arg13[%get3A_187, %get3A_188] {strides = array<i32>} : memref<32x128xf32, #tpu.memory_space<vmem>>, vector<1x16xf32>,
      %get3A_190 = vector.shape_cast %get3A_189 : vector<1x16xf32> to vector<16xf32>
      %mul3A_191 = arith.mulf %get3A_155, %get3A_190 : vector<16xf32>
      %get3A_192 = arith.index_cast %scan3A_140 : i32 to index
      %get3A_193 = arith.constant 64 : index
      %get3A_194 = tpu.vector_load %arg13[%get3A_192, %get3A_193] {strides = array<i32>} : memref<32x128xf32, #tpu.memory_space<vmem>>, vector<1x16xf32>,
      %get3A_195 = vector.shape_cast %get3A_194 : vector<1x16xf32> to vector<16xf32>
      %mul3A_196 = arith.mulf %get3A_159, %get3A_195 : vector<16xf32>
      %get3A_197 = arith.index_cast %scan3A_140 : i32 to index
      %get3A_198 = arith.constant 80 : index
      %get3A_199 = tpu.vector_load %arg13[%get3A_197, %get3A_198] {strides = array<i32>} : memref<32x128xf32, #tpu.memory_space<vmem>>, vector<1x16xf32>,
      %get3A_200 = vector.shape_cast %get3A_199 : vector<1x16xf32> to vector<16xf32>
      %mul3A_201 = arith.mulf %get3A_163, %get3A_200 : vector<16xf32>
      %get3A_202 = arith.index_cast %scan3A_140 : i32 to index
      %get3A_203 = arith.constant 96 : index
      %get3A_204 = tpu.vector_load %arg13[%get3A_202, %get3A_203] {strides = array<i32>} : memref<32x128xf32, #tpu.memory_space<vmem>>, vector<1x16xf32>,
      %get3A_205 = vector.shape_cast %get3A_204 : vector<1x16xf32> to vector<16xf32>
      %mul3A_206 = arith.mulf %get3A_167, %get3A_205 : vector<16xf32>
      %get3A_207 = arith.index_cast %scan3A_140 : i32 to index
      %get3A_208 = arith.constant 112 : index
      %get3A_209 = tpu.vector_load %arg13[%get3A_207, %get3A_208] {strides = array<i32>} : memref<32x128xf32, #tpu.memory_space<vmem>>, vector<1x16xf32>,
      %get3A_210 = vector.shape_cast %get3A_209 : vector<1x16xf32> to vector<16xf32>
      %mul3A_211 = arith.mulf %get3A_171, %get3A_210 : vector<16xf32>
      %add3A_212 = arith.addf %mul3A_176, %mul3A_181 : vector<16xf32>
      %add3A_213 = arith.addf %mul3A_186, %mul3A_191 : vector<16xf32>
      %add3A_214 = arith.addf %mul3A_196, %mul3A_201 : vector<16xf32>
      %add3A_215 = arith.addf %mul3A_206, %mul3A_211 : vector<16xf32>
      %add3A_216 = arith.addf %add3A_212, %add3A_213 : vector<16xf32>
      %add3A_217 = arith.addf %add3A_214, %add3A_215 : vector<16xf32>
      %add3A_218 = arith.addf %add3A_216, %add3A_217 : vector<16xf32>
      %mul3A_219 = arith.constant 16 : i32
      %mul3A_220 = arith.muli %scan3A_140, %mul3A_219 : i32
      %swap3A = arith.index_cast %mul3A_220 : i32 to index
      %swap3A_221 = tpu.vector_load %arg16[%swap3A] {strides = array<i32>} : memref<512xf32, #tpu.memory_space<vmem>>, vector<16xf32>,
      %swap3A_222 = vector.shape_cast %swap3A_221 : vector<16xf32> to vector<16xf32>
      %swap3A_223 = vector.shape_cast %add3A_218 : vector<16xf32> to vector<16xf32>
      tpu.vector_store %arg16[%swap3A], %swap3A_223 {strides = array<i32>} : memref<512xf32, #tpu.memory_space<vmem>>, vector<16xf32>,
    }
    %scan3A_29 = arith.constant 32 : i32
    %mul3A_30 = arith.constant 16 : i32
    %mul3A_31 = arith.muli %mul3A_2, %mul3A_30 : i32
    %dma_start3A_32 = tpu.memref_slice %arg7[%mul3A_31] : memref<16384xf32, #tpu.memory_space<hbm>> -> memref<512xf32, #tpu.memory_space<hbm>>
    %dma_start3A_33 = tpu.memref_slice %arg7[%mul3A_31] : memref<16384xf32, #tpu.memory_space<hbm>> -> memref<512xf32, #tpu.memory_space<hbm>>
    tpu.enqueue_dma source(%arg16 : memref<512xf32, #tpu.memory_space<vmem>>) target(%dma_start3A_33 : memref<512xf32, #tpu.memory_space<hbm>>) target_semaphore(%arg21 : memref<!tpu.dma_semaphore, #tpu.memory_space<semaphore_mem>>)
    %scan3A_34 = arith.constant 0 : i32
    %scan3A_35 = arith.constant 0 : i32
    %scan3A_36 = arith.constant 4 : i32
    %scan3A_37 = arith.addi %scan3A_35, %scan3A_36 : i32
    %scan3A_38 = arith.constant 1 : i32
    scf.for %scan3A_140 = %scan3A_35 to %scan3A_37 step %scan3A_38  : i32 {
      %mul3A_141 = arith.constant 2 : i32
      %mul3A_142 = arith.muli %scan3A_140, %mul3A_141 : i32
      %mul3A_143 = arith.constant 80 : i32
      %mul3A_144 = arith.muli %mul3A_142, %mul3A_143 : i32
      %dma_wait3A_145 = tpu.memref_slice %arg11[%mul3A_144] : memref<640xi32, #tpu.memory_space<vmem>> -> memref<80xi32, #tpu.memory_space<vmem>>
      %dma_wait3A_146 = arith.constant 0 : i32
      %dma_wait3A_147 = arith.constant 0 : i32
      %dma_wait3A_148 = tpu.memref_slice %arg6[%dma_wait3A_146, %dma_wait3A_147] : memref<100000x128xf32, #tpu.memory_space<hbm>> -> memref<100000x128xf32, #tpu.memory_space<hbm>>
      tpu.wait_indirect_dma semaphore(%arg19 : memref<!tpu.dma_semaphore, #tpu.memory_space<semaphore_mem>>) src(%dma_wait3A_148 : memref<100000x128xf32, #tpu.memory_space<hbm>>) dst(%arg14 : memref<80x128xf32, #tpu.memory_space<vmem>>)
      %scan3A_149 = arith.constant 0 : i32
      %scan3A_150 = arith.constant 0 : i32
      %scan3A_151 = arith.constant 4 : i32
      %scan3A_152 = arith.addi %scan3A_150, %scan3A_151 : i32
      %scan3A_153 = arith.constant 1 : i32
      scf.for %scan3A_200 = %scan3A_150 to %scan3A_152 step %scan3A_153  : i32 {
        %mul3A_201 = arith.constant 8 : i32
        %mul3A_202 = arith.muli %scan3A_140, %mul3A_201 : i32
        %add3A_203 = arith.constant 0 : i32
        %add3A_204 = arith.addi %mul3A_202, %add3A_203 : i32
        %add3A_205 = arith.addi %add3A_204, %scan3A_200 : i32
        %get3A = arith.index_cast %add3A_205 : i32 to index
        %get3A_206 = arith.constant 0 : index
        %get3A_207 = tpu.vector_load %arg12[%get3A, %get3A_206] {strides = array<i32>} : memref<32x128xf32, #tpu.memory_space<vmem>>, vector<1x16xf32>,
        %get3A_208 = vector.shape_cast %get3A_207 : vector<1x16xf32> to vector<16xf32>
        %get3A_209 = arith.index_cast %add3A_205 : i32 to index
        %get3A_210 = arith.constant 16 : index
        %get3A_211 = tpu.vector_load %arg12[%get3A_209, %get3A_210] {strides = array<i32>} : memref<32x128xf32, #tpu.memory_space<vmem>>, vector<1x16xf32>,
        %get3A_212 = vector.shape_cast %get3A_211 : vector<1x16xf32> to vector<16xf32>
        %get3A_213 = arith.index_cast %add3A_205 : i32 to index
        %get3A_214 = arith.constant 32 : index
        %get3A_215 = tpu.vector_load %arg12[%get3A_213, %get3A_214] {strides = array<i32>} : memref<32x128xf32, #tpu.memory_space<vmem>>, vector<1x16xf32>,
        %get3A_216 = vector.shape_cast %get3A_215 : vector<1x16xf32> to vector<16xf32>
        %get3A_217 = arith.index_cast %add3A_205 : i32 to index
        %get3A_218 = arith.constant 48 : index
        %get3A_219 = tpu.vector_load %arg12[%get3A_217, %get3A_218] {strides = array<i32>} : memref<32x128xf32, #tpu.memory_space<vmem>>, vector<1x16xf32>,
        %get3A_220 = vector.shape_cast %get3A_219 : vector<1x16xf32> to vector<16xf32>
        %get3A_221 = arith.index_cast %add3A_205 : i32 to index
        %get3A_222 = arith.constant 64 : index
        %get3A_223 = tpu.vector_load %arg12[%get3A_221, %get3A_222] {strides = array<i32>} : memref<32x128xf32, #tpu.memory_space<vmem>>, vector<1x16xf32>,
        %get3A_224 = vector.shape_cast %get3A_223 : vector<1x16xf32> to vector<16xf32>
        %get3A_225 = arith.index_cast %add3A_205 : i32 to index
        %get3A_226 = arith.constant 80 : index
        %get3A_227 = tpu.vector_load %arg12[%get3A_225, %get3A_226] {strides = array<i32>} : memref<32x128xf32, #tpu.memory_space<vmem>>, vector<1x16xf32>,
        %get3A_228 = vector.shape_cast %get3A_227 : vector<1x16xf32> to vector<16xf32>
        %get3A_229 = arith.index_cast %add3A_205 : i32 to index
        %get3A_230 = arith.constant 96 : index
        %get3A_231 = tpu.vector_load %arg12[%get3A_229, %get3A_230] {strides = array<i32>} : memref<32x128xf32, #tpu.memory_space<vmem>>, vector<1x16xf32>,
        %get3A_232 = vector.shape_cast %get3A_231 : vector<1x16xf32> to vector<16xf32>
        %get3A_233 = arith.index_cast %add3A_205 : i32 to index
        %get3A_234 = arith.constant 112 : index
        %get3A_235 = tpu.vector_load %arg12[%get3A_233, %get3A_234] {strides = array<i32>} : memref<32x128xf32, #tpu.memory_space<vmem>>, vector<1x16xf32>,
        %get3A_236 = vector.shape_cast %get3A_235 : vector<1x16xf32> to vector<16xf32>
        %scan3A_237 = arith.constant 0 : i32
        %scan3A_238 = arith.constant 0 : i32
        %scan3A_239 = arith.constant 20 : i32
        %scan3A_240 = arith.addi %scan3A_238, %scan3A_239 : i32
        %scan3A_241 = arith.constant 1 : i32
        scf.for %scan3A_243 = %scan3A_238 to %scan3A_240 step %scan3A_241  : i32 {
          %mul3A_244 = arith.constant 20 : i32
          %mul3A_245 = arith.muli %scan3A_200, %mul3A_244 : i32
          %add3A_246 = arith.addi %mul3A_245, %scan3A_243 : i32
          %get3A_247 = arith.index_cast %add3A_246 : i32 to index
          %get3A_248 = arith.constant 0 : index
          %get3A_249 = tpu.vector_load %arg14[%get3A_247, %get3A_248] {strides = array<i32>} : memref<80x128xf32, #tpu.memory_space<vmem>>, vector<1x16xf32>,
          %get3A_250 = vector.shape_cast %get3A_249 : vector<1x16xf32> to vector<16xf32>
          %mul3A_251 = arith.mulf %get3A_208, %get3A_250 : vector<16xf32>
          %get3A_252 = arith.index_cast %add3A_246 : i32 to index
          %get3A_253 = arith.constant 16 : index
          %get3A_254 = tpu.vector_load %arg14[%get3A_252, %get3A_253] {strides = array<i32>} : memref<80x128xf32, #tpu.memory_space<vmem>>, vector<1x16xf32>,
          %get3A_255 = vector.shape_cast %get3A_254 : vector<1x16xf32> to vector<16xf32>
          %mul3A_256 = arith.mulf %get3A_212, %get3A_255 : vector<16xf32>
          %get3A_257 = arith.index_cast %add3A_246 : i32 to index
          %get3A_258 = arith.constant 32 : index
          %get3A_259 = tpu.vector_load %arg14[%get3A_257, %get3A_258] {strides = array<i32>} : memref<80x128xf32, #tpu.memory_space<vmem>>, vector<1x16xf32>,
          %get3A_260 = vector.shape_cast %get3A_259 : vector<1x16xf32> to vector<16xf32>
          %mul3A_261 = arith.mulf %get3A_216, %get3A_260 : vector<16xf32>
          %get3A_262 = arith.index_cast %add3A_246 : i32 to index
          %get3A_263 = arith.constant 48 : index
          %get3A_264 = tpu.vector_load %arg14[%get3A_262, %get3A_263] {strides = array<i32>} : memref<80x128xf32, #tpu.memory_space<vmem>>, vector<1x16xf32>,
          %get3A_265 = vector.shape_cast %get3A_264 : vector<1x16xf32> to vector<16xf32>
          %mul3A_266 = arith.mulf %get3A_220, %get3A_265 : vector<16xf32>
          %get3A_267 = arith.index_cast %add3A_246 : i32 to index
          %get3A_268 = arith.constant 64 : index
          %get3A_269 = tpu.vector_load %arg14[%get3A_267, %get3A_268] {strides = array<i32>} : memref<80x128xf32, #tpu.memory_space<vmem>>, vector<1x16xf32>,
          %get3A_270 = vector.shape_cast %get3A_269 : vector<1x16xf32> to vector<16xf32>
          %mul3A_271 = arith.mulf %get3A_224, %get3A_270 : vector<16xf32>
          %get3A_272 = arith.index_cast %add3A_246 : i32 to index
          %get3A_273 = arith.constant 80 : index
          %get3A_274 = tpu.vector_load %arg14[%get3A_272, %get3A_273] {strides = array<i32>} : memref<80x128xf32, #tpu.memory_space<vmem>>, vector<1x16xf32>,
          %get3A_275 = vector.shape_cast %get3A_274 : vector<1x16xf32> to vector<16xf32>
          %mul3A_276 = arith.mulf %get3A_228, %get3A_275 : vector<16xf32>
          %get3A_277 = arith.index_cast %add3A_246 : i32 to index
          %get3A_278 = arith.constant 96 : index
          %get3A_279 = tpu.vector_load %arg14[%get3A_277, %get3A_278] {strides = array<i32>} : memref<80x128xf32, #tpu.memory_space<vmem>>, vector<1x16xf32>,
          %get3A_280 = vector.shape_cast %get3A_279 : vector<1x16xf32> to vector<16xf32>
          %mul3A_281 = arith.mulf %get3A_232, %get3A_280 : vector<16xf32>
          %get3A_282 = arith.index_cast %add3A_246 : i32 to index
          %get3A_283 = arith.constant 112 : index
          %get3A_284 = tpu.vector_load %arg14[%get3A_282, %get3A_283] {strides = array<i32>} : memref<80x128xf32, #tpu.memory_space<vmem>>, vector<1x16xf32>,
          %get3A_285 = vector.shape_cast %get3A_284 : vector<1x16xf32> to vector<16xf32>
          %mul3A_286 = arith.mulf %get3A_236, %get3A_285 : vector<16xf32>
          %add3A_287 = arith.addf %mul3A_251, %mul3A_256 : vector<16xf32>
          %add3A_288 = arith.addf %mul3A_261, %mul3A_266 : vector<16xf32>
          %add3A_289 = arith.addf %mul3A_271, %mul3A_276 : vector<16xf32>
          %add3A_290 = arith.addf %mul3A_281, %mul3A_286 : vector<16xf32>
          %add3A_291 = arith.addf %add3A_287, %add3A_288 : vector<16xf32>
          %add3A_292 = arith.addf %add3A_289, %add3A_290 : vector<16xf32>
          %add3A_293 = arith.addf %add3A_291, %add3A_292 : vector<16xf32>
          %mul3A_294 = arith.constant 20 : i32
          %mul3A_295 = arith.muli %add3A_205, %mul3A_294 : i32
          %add3A_296 = arith.addi %mul3A_295, %scan3A_243 : i32
          %mul3A_297 = arith.constant 16 : i32
          %mul3A_298 = arith.muli %add3A_296, %mul3A_297 : i32
          %swap3A = arith.index_cast %mul3A_298 : i32 to index
          %swap3A_299 = tpu.vector_load %arg17[%swap3A] {strides = array<i32>} : memref<10240xf32, #tpu.memory_space<vmem>>, vector<16xf32>,
          %swap3A_300 = vector.shape_cast %swap3A_299 : vector<16xf32> to vector<16xf32>
          %swap3A_301 = vector.shape_cast %add3A_293 : vector<16xf32> to vector<16xf32>
          tpu.vector_store %arg17[%swap3A], %swap3A_301 {strides = array<i32>} : memref<10240xf32, #tpu.memory_space<vmem>>, vector<16xf32>,
        }
        %scan3A_242 = arith.constant 20 : i32
      }
      %scan3A_154 = arith.constant 4 : i32
      %mul3A_155 = arith.constant 16 : i32
      %mul3A_156 = arith.muli %mul3A_144, %mul3A_155 : i32
      %mul3A_157 = arith.constant 640 : i32
      %mul3A_158 = arith.muli %add3A, %mul3A_157 : i32
      %add3A_159 = arith.addi %mul3A_158, %mul3A_144 : i32
      %mul3A_160 = arith.constant 16 : i32
      %mul3A_161 = arith.muli %add3A_159, %mul3A_160 : i32
      %dma_start3A_162 = tpu.memref_slice %arg17[%mul3A_156] : memref<10240xf32, #tpu.memory_space<vmem>> -> memref<1280xf32, #tpu.memory_space<vmem>>
      %dma_start3A_163 = tpu.memref_slice %arg8[%mul3A_161] : memref<327680xf32, #tpu.memory_space<hbm>> -> memref<1280xf32, #tpu.memory_space<hbm>>
      %dma_start3A_164 = tpu.memref_slice %arg8[%mul3A_161] : memref<327680xf32, #tpu.memory_space<hbm>> -> memref<1280xf32, #tpu.memory_space<hbm>>
      %dma_start3A_165 = tpu.memref_slice %arg17[%mul3A_156] : memref<10240xf32, #tpu.memory_space<vmem>> -> memref<1280xf32, #tpu.memory_space<vmem>>
      tpu.enqueue_dma source(%dma_start3A_165 : memref<1280xf32, #tpu.memory_space<vmem>>) target(%dma_start3A_164 : memref<1280xf32, #tpu.memory_space<hbm>>) target_semaphore(%arg21 : memref<!tpu.dma_semaphore, #tpu.memory_space<semaphore_mem>>)
      %lt3A = arith.constant 3 : i32
      %lt3A_166 = arith.cmpi slt, %scan3A_140, %lt3A : i32
      %convert_element_type3A = arith.extui %lt3A_166 : i1 to i32
      %cond3A = arith.constant 0 : i32
      %cond3A_167 = arith.cmpi ne, %convert_element_type3A, %cond3A : i32
      scf.if %cond3A_167 {
        %add3A_200 = arith.constant 160 : i32
        %add3A_201 = arith.addi %mul3A_144, %add3A_200 : i32
        %dma_start3A_202 = tpu.memref_slice %arg11[%add3A_201] : memref<640xi32, #tpu.memory_space<vmem>> -> memref<80xi32, #tpu.memory_space<vmem>>
        %dma_start3A_203 = arith.constant 0 : i32
        %dma_start3A_204 = arith.constant 0 : i32
        %dma_start3A_205 = tpu.memref_slice %arg6[%dma_start3A_203, %dma_start3A_204] : memref<100000x128xf32, #tpu.memory_space<hbm>> -> memref<100000x128xf32, #tpu.memory_space<hbm>>
        tpu.enqueue_indirect_dma source(%dma_start3A_205 : memref<100000x128xf32, #tpu.memory_space<hbm>>) target(%arg14 : memref<80x128xf32, #tpu.memory_space<vmem>>) offsets(%dma_start3A_202 : memref<80xi32, #tpu.memory_space<vmem>>) semaphore(%arg19 : memref<!tpu.dma_semaphore, #tpu.memory_space<semaphore_mem>>)
      } else {
      }
      %add3A_168 = arith.constant 80 : i32
      %add3A_169 = arith.addi %mul3A_144, %add3A_168 : i32
      %dma_wait3A_170 = tpu.memref_slice %arg11[%add3A_169] : memref<640xi32, #tpu.memory_space<vmem>> -> memref<80xi32, #tpu.memory_space<vmem>>
      %dma_wait3A_171 = arith.constant 0 : i32
      %dma_wait3A_172 = arith.constant 0 : i32
      %dma_wait3A_173 = tpu.memref_slice %arg6[%dma_wait3A_171, %dma_wait3A_172] : memref<100000x128xf32, #tpu.memory_space<hbm>> -> memref<100000x128xf32, #tpu.memory_space<hbm>>
      tpu.wait_indirect_dma semaphore(%arg20 : memref<!tpu.dma_semaphore, #tpu.memory_space<semaphore_mem>>) src(%dma_wait3A_173 : memref<100000x128xf32, #tpu.memory_space<hbm>>) dst(%arg15 : memref<80x128xf32, #tpu.memory_space<vmem>>)
      %scan3A_174 = arith.constant 0 : i32
      %scan3A_175 = arith.constant 0 : i32
      %scan3A_176 = arith.constant 4 : i32
      %scan3A_177 = arith.addi %scan3A_175, %scan3A_176 : i32
      %scan3A_178 = arith.constant 1 : i32
      scf.for %scan3A_200 = %scan3A_175 to %scan3A_177 step %scan3A_178  : i32 {
        %mul3A_201 = arith.constant 8 : i32
        %mul3A_202 = arith.muli %scan3A_140, %mul3A_201 : i32
        %add3A_203 = arith.constant 4 : i32
        %add3A_204 = arith.addi %mul3A_202, %add3A_203 : i32
        %add3A_205 = arith.addi %add3A_204, %scan3A_200 : i32
        %get3A = arith.index_cast %add3A_205 : i32 to index
        %get3A_206 = arith.constant 0 : index
        %get3A_207 = tpu.vector_load %arg12[%get3A, %get3A_206] {strides = array<i32>} : memref<32x128xf32, #tpu.memory_space<vmem>>, vector<1x16xf32>,
        %get3A_208 = vector.shape_cast %get3A_207 : vector<1x16xf32> to vector<16xf32>
        %get3A_209 = arith.index_cast %add3A_205 : i32 to index
        %get3A_210 = arith.constant 16 : index
        %get3A_211 = tpu.vector_load %arg12[%get3A_209, %get3A_210] {strides = array<i32>} : memref<32x128xf32, #tpu.memory_space<vmem>>, vector<1x16xf32>,
        %get3A_212 = vector.shape_cast %get3A_211 : vector<1x16xf32> to vector<16xf32>
        %get3A_213 = arith.index_cast %add3A_205 : i32 to index
        %get3A_214 = arith.constant 32 : index
        %get3A_215 = tpu.vector_load %arg12[%get3A_213, %get3A_214] {strides = array<i32>} : memref<32x128xf32, #tpu.memory_space<vmem>>, vector<1x16xf32>,
        %get3A_216 = vector.shape_cast %get3A_215 : vector<1x16xf32> to vector<16xf32>
        %get3A_217 = arith.index_cast %add3A_205 : i32 to index
        %get3A_218 = arith.constant 48 : index
        %get3A_219 = tpu.vector_load %arg12[%get3A_217, %get3A_218] {strides = array<i32>} : memref<32x128xf32, #tpu.memory_space<vmem>>, vector<1x16xf32>,
        %get3A_220 = vector.shape_cast %get3A_219 : vector<1x16xf32> to vector<16xf32>
        %get3A_221 = arith.index_cast %add3A_205 : i32 to index
        %get3A_222 = arith.constant 64 : index
        %get3A_223 = tpu.vector_load %arg12[%get3A_221, %get3A_222] {strides = array<i32>} : memref<32x128xf32, #tpu.memory_space<vmem>>, vector<1x16xf32>,
        %get3A_224 = vector.shape_cast %get3A_223 : vector<1x16xf32> to vector<16xf32>
        %get3A_225 = arith.index_cast %add3A_205 : i32 to index
        %get3A_226 = arith.constant 80 : index
        %get3A_227 = tpu.vector_load %arg12[%get3A_225, %get3A_226] {strides = array<i32>} : memref<32x128xf32, #tpu.memory_space<vmem>>, vector<1x16xf32>,
        %get3A_228 = vector.shape_cast %get3A_227 : vector<1x16xf32> to vector<16xf32>
        %get3A_229 = arith.index_cast %add3A_205 : i32 to index
        %get3A_230 = arith.constant 96 : index
        %get3A_231 = tpu.vector_load %arg12[%get3A_229, %get3A_230] {strides = array<i32>} : memref<32x128xf32, #tpu.memory_space<vmem>>, vector<1x16xf32>,
        %get3A_232 = vector.shape_cast %get3A_231 : vector<1x16xf32> to vector<16xf32>
        %get3A_233 = arith.index_cast %add3A_205 : i32 to index
        %get3A_234 = arith.constant 112 : index
        %get3A_235 = tpu.vector_load %arg12[%get3A_233, %get3A_234] {strides = array<i32>} : memref<32x128xf32, #tpu.memory_space<vmem>>, vector<1x16xf32>,
        %get3A_236 = vector.shape_cast %get3A_235 : vector<1x16xf32> to vector<16xf32>
        %scan3A_237 = arith.constant 0 : i32
        %scan3A_238 = arith.constant 0 : i32
        %scan3A_239 = arith.constant 20 : i32
        %scan3A_240 = arith.addi %scan3A_238, %scan3A_239 : i32
        %scan3A_241 = arith.constant 1 : i32
        scf.for %scan3A_243 = %scan3A_238 to %scan3A_240 step %scan3A_241  : i32 {
          %mul3A_244 = arith.constant 20 : i32
          %mul3A_245 = arith.muli %scan3A_200, %mul3A_244 : i32
          %add3A_246 = arith.addi %mul3A_245, %scan3A_243 : i32
          %get3A_247 = arith.index_cast %add3A_246 : i32 to index
          %get3A_248 = arith.constant 0 : index
          %get3A_249 = tpu.vector_load %arg15[%get3A_247, %get3A_248] {strides = array<i32>} : memref<80x128xf32, #tpu.memory_space<vmem>>, vector<1x16xf32>,
          %get3A_250 = vector.shape_cast %get3A_249 : vector<1x16xf32> to vector<16xf32>
          %mul3A_251 = arith.mulf %get3A_208, %get3A_250 : vector<16xf32>
          %get3A_252 = arith.index_cast %add3A_246 : i32 to index
          %get3A_253 = arith.constant 16 : index
          %get3A_254 = tpu.vector_load %arg15[%get3A_252, %get3A_253] {strides = array<i32>} : memref<80x128xf32, #tpu.memory_space<vmem>>, vector<1x16xf32>,
          %get3A_255 = vector.shape_cast %get3A_254 : vector<1x16xf32> to vector<16xf32>
          %mul3A_256 = arith.mulf %get3A_212, %get3A_255 : vector<16xf32>
          %get3A_257 = arith.index_cast %add3A_246 : i32 to index
          %get3A_258 = arith.constant 32 : index
          %get3A_259 = tpu.vector_load %arg15[%get3A_257, %get3A_258] {strides = array<i32>} : memref<80x128xf32, #tpu.memory_space<vmem>>, vector<1x16xf32>,
          %get3A_260 = vector.shape_cast %get3A_259 : vector<1x16xf32> to vector<16xf32>
          %mul3A_261 = arith.mulf %get3A_216, %get3A_260 : vector<16xf32>
          %get3A_262 = arith.index_cast %add3A_246 : i32 to index
          %get3A_263 = arith.constant 48 : index
          %get3A_264 = tpu.vector_load %arg15[%get3A_262, %get3A_263] {strides = array<i32>} : memref<80x128xf32, #tpu.memory_space<vmem>>, vector<1x16xf32>,
          %get3A_265 = vector.shape_cast %get3A_264 : vector<1x16xf32> to vector<16xf32>
          %mul3A_266 = arith.mulf %get3A_220, %get3A_265 : vector<16xf32>
          %get3A_267 = arith.index_cast %add3A_246 : i32 to index
          %get3A_268 = arith.constant 64 : index
          %get3A_269 = tpu.vector_load %arg15[%get3A_267, %get3A_268] {strides = array<i32>} : memref<80x128xf32, #tpu.memory_space<vmem>>, vector<1x16xf32>,
          %get3A_270 = vector.shape_cast %get3A_269 : vector<1x16xf32> to vector<16xf32>
          %mul3A_271 = arith.mulf %get3A_224, %get3A_270 : vector<16xf32>
          %get3A_272 = arith.index_cast %add3A_246 : i32 to index
          %get3A_273 = arith.constant 80 : index
          %get3A_274 = tpu.vector_load %arg15[%get3A_272, %get3A_273] {strides = array<i32>} : memref<80x128xf32, #tpu.memory_space<vmem>>, vector<1x16xf32>,
          %get3A_275 = vector.shape_cast %get3A_274 : vector<1x16xf32> to vector<16xf32>
          %mul3A_276 = arith.mulf %get3A_228, %get3A_275 : vector<16xf32>
          %get3A_277 = arith.index_cast %add3A_246 : i32 to index
          %get3A_278 = arith.constant 96 : index
          %get3A_279 = tpu.vector_load %arg15[%get3A_277, %get3A_278] {strides = array<i32>} : memref<80x128xf32, #tpu.memory_space<vmem>>, vector<1x16xf32>,
          %get3A_280 = vector.shape_cast %get3A_279 : vector<1x16xf32> to vector<16xf32>
          %mul3A_281 = arith.mulf %get3A_232, %get3A_280 : vector<16xf32>
          %get3A_282 = arith.index_cast %add3A_246 : i32 to index
          %get3A_283 = arith.constant 112 : index
          %get3A_284 = tpu.vector_load %arg15[%get3A_282, %get3A_283] {strides = array<i32>} : memref<80x128xf32, #tpu.memory_space<vmem>>, vector<1x16xf32>,
          %get3A_285 = vector.shape_cast %get3A_284 : vector<1x16xf32> to vector<16xf32>
          %mul3A_286 = arith.mulf %get3A_236, %get3A_285 : vector<16xf32>
          %add3A_287 = arith.addf %mul3A_251, %mul3A_256 : vector<16xf32>
          %add3A_288 = arith.addf %mul3A_261, %mul3A_266 : vector<16xf32>
          %add3A_289 = arith.addf %mul3A_271, %mul3A_276 : vector<16xf32>
          %add3A_290 = arith.addf %mul3A_281, %mul3A_286 : vector<16xf32>
          %add3A_291 = arith.addf %add3A_287, %add3A_288 : vector<16xf32>
          %add3A_292 = arith.addf %add3A_289, %add3A_290 : vector<16xf32>
          %add3A_293 = arith.addf %add3A_291, %add3A_292 : vector<16xf32>
          %mul3A_294 = arith.constant 20 : i32
          %mul3A_295 = arith.muli %add3A_205, %mul3A_294 : i32
          %add3A_296 = arith.addi %mul3A_295, %scan3A_243 : i32
          %mul3A_297 = arith.constant 16 : i32
          %mul3A_298 = arith.muli %add3A_296, %mul3A_297 : i32
          %swap3A = arith.index_cast %mul3A_298 : i32 to index
          %swap3A_299 = tpu.vector_load %arg17[%swap3A] {strides = array<i32>} : memref<10240xf32, #tpu.memory_space<vmem>>, vector<16xf32>,
          %swap3A_300 = vector.shape_cast %swap3A_299 : vector<16xf32> to vector<16xf32>
          %swap3A_301 = vector.shape_cast %add3A_293 : vector<16xf32> to vector<16xf32>
          tpu.vector_store %arg17[%swap3A], %swap3A_301 {strides = array<i32>} : memref<10240xf32, #tpu.memory_space<vmem>>, vector<16xf32>,
        }
        %scan3A_242 = arith.constant 20 : i32
      }
      %scan3A_179 = arith.constant 4 : i32
      %add3A_180 = arith.constant 80 : i32
      %add3A_181 = arith.addi %mul3A_144, %add3A_180 : i32
      %mul3A_182 = arith.constant 16 : i32
      %mul3A_183 = arith.muli %add3A_181, %mul3A_182 : i32
      %mul3A_184 = arith.constant 640 : i32
      %mul3A_185 = arith.muli %add3A, %mul3A_184 : i32
      %add3A_186 = arith.addi %mul3A_185, %mul3A_144 : i32
      %add3A_187 = arith.constant 80 : i32
      %add3A_188 = arith.addi %add3A_186, %add3A_187 : i32
      %mul3A_189 = arith.constant 16 : i32
      %mul3A_190 = arith.muli %add3A_188, %mul3A_189 : i32
      %dma_start3A_191 = tpu.memref_slice %arg17[%mul3A_183] : memref<10240xf32, #tpu.memory_space<vmem>> -> memref<1280xf32, #tpu.memory_space<vmem>>
      %dma_start3A_192 = tpu.memref_slice %arg8[%mul3A_190] : memref<327680xf32, #tpu.memory_space<hbm>> -> memref<1280xf32, #tpu.memory_space<hbm>>
      %dma_start3A_193 = tpu.memref_slice %arg8[%mul3A_190] : memref<327680xf32, #tpu.memory_space<hbm>> -> memref<1280xf32, #tpu.memory_space<hbm>>
      %dma_start3A_194 = tpu.memref_slice %arg17[%mul3A_183] : memref<10240xf32, #tpu.memory_space<vmem>> -> memref<1280xf32, #tpu.memory_space<vmem>>
      tpu.enqueue_dma source(%dma_start3A_194 : memref<1280xf32, #tpu.memory_space<vmem>>) target(%dma_start3A_193 : memref<1280xf32, #tpu.memory_space<hbm>>) target_semaphore(%arg21 : memref<!tpu.dma_semaphore, #tpu.memory_space<semaphore_mem>>)
      %lt3A_195 = arith.constant 3 : i32
      %lt3A_196 = arith.cmpi slt, %scan3A_140, %lt3A_195 : i32
      %convert_element_type3A_197 = arith.extui %lt3A_196 : i1 to i32
      %cond3A_198 = arith.constant 0 : i32
      %cond3A_199 = arith.cmpi ne, %convert_element_type3A_197, %cond3A_198 : i32
      scf.if %cond3A_199 {
        %add3A_200 = arith.constant 240 : i32
        %add3A_201 = arith.addi %mul3A_144, %add3A_200 : i32
        %dma_start3A_202 = tpu.memref_slice %arg11[%add3A_201] : memref<640xi32, #tpu.memory_space<vmem>> -> memref<80xi32, #tpu.memory_space<vmem>>
        %dma_start3A_203 = arith.constant 0 : i32
        %dma_start3A_204 = arith.constant 0 : i32
        %dma_start3A_205 = tpu.memref_slice %arg6[%dma_start3A_203, %dma_start3A_204] : memref<100000x128xf32, #tpu.memory_space<hbm>> -> memref<100000x128xf32, #tpu.memory_space<hbm>>
        tpu.enqueue_indirect_dma source(%dma_start3A_205 : memref<100000x128xf32, #tpu.memory_space<hbm>>) target(%arg15 : memref<80x128xf32, #tpu.memory_space<vmem>>) offsets(%dma_start3A_202 : memref<80xi32, #tpu.memory_space<vmem>>) semaphore(%arg20 : memref<!tpu.dma_semaphore, #tpu.memory_space<semaphore_mem>>)
      } else {
      }
    }
    %scan3A_39 = arith.constant 4 : i32
    %mul3A_40 = arith.constant 16 : i32
    %mul3A_41 = arith.muli %mul3A_2, %mul3A_40 : i32
    %dma_wait3A_42 = tpu.memref_slice %arg7[%mul3A_41] : memref<16384xf32, #tpu.memory_space<hbm>> -> memref<512xf32, #tpu.memory_space<hbm>>
    %dma_wait3A_43 = tpu.memref_slice %arg7[%mul3A_41] : memref<16384xf32, #tpu.memory_space<hbm>> -> memref<512xf32, #tpu.memory_space<hbm>>
    tpu.wait_dma2 semaphore(%arg21 : memref<!tpu.dma_semaphore, #tpu.memory_space<semaphore_mem>>) src(%arg16 : memref<512xf32, #tpu.memory_space<vmem>>) dst(%dma_wait3A_43 : memref<512xf32, #tpu.memory_space<hbm>>)
    %mul3A_44 = arith.constant 640 : i32
    %mul3A_45 = arith.muli %add3A, %mul3A_44 : i32
    %add3A_46 = arith.constant 0 : i32
    %add3A_47 = arith.addi %mul3A_45, %add3A_46 : i32
    %mul3A_48 = arith.constant 16 : i32
    %mul3A_49 = arith.muli %add3A_47, %mul3A_48 : i32
    %dma_wait3A_50 = arith.constant 0 : i32
    %dma_wait3A_51 = tpu.memref_slice %arg17[%dma_wait3A_50] : memref<10240xf32, #tpu.memory_space<vmem>> -> memref<1280xf32, #tpu.memory_space<vmem>>
    %dma_wait3A_52 = tpu.memref_slice %arg8[%mul3A_49] : memref<327680xf32, #tpu.memory_space<hbm>> -> memref<1280xf32, #tpu.memory_space<hbm>>
    %dma_wait3A_53 = tpu.memref_slice %arg8[%mul3A_49] : memref<327680xf32, #tpu.memory_space<hbm>> -> memref<1280xf32, #tpu.memory_space<hbm>>
    %dma_wait3A_54 = arith.constant 0 : i32
    %dma_wait3A_55 = tpu.memref_slice %arg17[%dma_wait3A_54] : memref<10240xf32, #tpu.memory_space<vmem>> -> memref<1280xf32, #tpu.memory_space<vmem>>
    tpu.wait_dma2 semaphore(%arg21 : memref<!tpu.dma_semaphore, #tpu.memory_space<semaphore_mem>>) src(%dma_wait3A_55 : memref<1280xf32, #tpu.memory_space<vmem>>) dst(%dma_wait3A_53 : memref<1280xf32, #tpu.memory_space<hbm>>)
    %mul3A_56 = arith.constant 640 : i32
    %mul3A_57 = arith.muli %add3A, %mul3A_56 : i32
    %add3A_58 = arith.constant 80 : i32
    %add3A_59 = arith.addi %mul3A_57, %add3A_58 : i32
    %mul3A_60 = arith.constant 16 : i32
    %mul3A_61 = arith.muli %add3A_59, %mul3A_60 : i32
    %dma_wait3A_62 = arith.constant 1280 : i32
    %dma_wait3A_63 = tpu.memref_slice %arg17[%dma_wait3A_62] : memref<10240xf32, #tpu.memory_space<vmem>> -> memref<1280xf32, #tpu.memory_space<vmem>>
    %dma_wait3A_64 = tpu.memref_slice %arg8[%mul3A_61] : memref<327680xf32, #tpu.memory_space<hbm>> -> memref<1280xf32, #tpu.memory_space<hbm>>
    %dma_wait3A_65 = tpu.memref_slice %arg8[%mul3A_61] : memref<327680xf32, #tpu.memory_space<hbm>> -> memref<1280xf32, #tpu.memory_space<hbm>>
    %dma_wait3A_66 = arith.constant 1280 : i32
    %dma_wait3A_67 = tpu.memref_slice %arg17[%dma_wait3A_66] : memref<10240xf32, #tpu.memory_space<vmem>> -> memref<1280xf32, #tpu.memory_space<vmem>>
    tpu.wait_dma2 semaphore(%arg21 : memref<!tpu.dma_semaphore, #tpu.memory_space<semaphore_mem>>) src(%dma_wait3A_67 : memref<1280xf32, #tpu.memory_space<vmem>>) dst(%dma_wait3A_65 : memref<1280xf32, #tpu.memory_space<hbm>>)
    %mul3A_68 = arith.constant 640 : i32
    %mul3A_69 = arith.muli %add3A, %mul3A_68 : i32
    %add3A_70 = arith.constant 160 : i32
    %add3A_71 = arith.addi %mul3A_69, %add3A_70 : i32
    %mul3A_72 = arith.constant 16 : i32
    %mul3A_73 = arith.muli %add3A_71, %mul3A_72 : i32
    %dma_wait3A_74 = arith.constant 2560 : i32
    %dma_wait3A_75 = tpu.memref_slice %arg17[%dma_wait3A_74] : memref<10240xf32, #tpu.memory_space<vmem>> -> memref<1280xf32, #tpu.memory_space<vmem>>
    %dma_wait3A_76 = tpu.memref_slice %arg8[%mul3A_73] : memref<327680xf32, #tpu.memory_space<hbm>> -> memref<1280xf32, #tpu.memory_space<hbm>>
    %dma_wait3A_77 = tpu.memref_slice %arg8[%mul3A_73] : memref<327680xf32, #tpu.memory_space<hbm>> -> memref<1280xf32, #tpu.memory_space<hbm>>
    %dma_wait3A_78 = arith.constant 2560 : i32
    %dma_wait3A_79 = tpu.memref_slice %arg17[%dma_wait3A_78] : memref<10240xf32, #tpu.memory_space<vmem>> -> memref<1280xf32, #tpu.memory_space<vmem>>
    tpu.wait_dma2 semaphore(%arg21 : memref<!tpu.dma_semaphore, #tpu.memory_space<semaphore_mem>>) src(%dma_wait3A_79 : memref<1280xf32, #tpu.memory_space<vmem>>) dst(%dma_wait3A_77 : memref<1280xf32, #tpu.memory_space<hbm>>)
    %mul3A_80 = arith.constant 640 : i32
    %mul3A_81 = arith.muli %add3A, %mul3A_80 : i32
    %add3A_82 = arith.constant 240 : i32
    %add3A_83 = arith.addi %mul3A_81, %add3A_82 : i32
    %mul3A_84 = arith.constant 16 : i32
    %mul3A_85 = arith.muli %add3A_83, %mul3A_84 : i32
    %dma_wait3A_86 = arith.constant 3840 : i32
    %dma_wait3A_87 = tpu.memref_slice %arg17[%dma_wait3A_86] : memref<10240xf32, #tpu.memory_space<vmem>> -> memref<1280xf32, #tpu.memory_space<vmem>>
    %dma_wait3A_88 = tpu.memref_slice %arg8[%mul3A_85] : memref<327680xf32, #tpu.memory_space<hbm>> -> memref<1280xf32, #tpu.memory_space<hbm>>
    %dma_wait3A_89 = tpu.memref_slice %arg8[%mul3A_85] : memref<327680xf32, #tpu.memory_space<hbm>> -> memref<1280xf32, #tpu.memory_space<hbm>>
    %dma_wait3A_90 = arith.constant 3840 : i32
    %dma_wait3A_91 = tpu.memref_slice %arg17[%dma_wait3A_90] : memref<10240xf32, #tpu.memory_space<vmem>> -> memref<1280xf32, #tpu.memory_space<vmem>>
    tpu.wait_dma2 semaphore(%arg21 : memref<!tpu.dma_semaphore, #tpu.memory_space<semaphore_mem>>) src(%dma_wait3A_91 : memref<1280xf32, #tpu.memory_space<vmem>>) dst(%dma_wait3A_89 : memref<1280xf32, #tpu.memory_space<hbm>>)
    %mul3A_92 = arith.constant 640 : i32
    %mul3A_93 = arith.muli %add3A, %mul3A_92 : i32
    %add3A_94 = arith.constant 320 : i32
    %add3A_95 = arith.addi %mul3A_93, %add3A_94 : i32
    %mul3A_96 = arith.constant 16 : i32
    %mul3A_97 = arith.muli %add3A_95, %mul3A_96 : i32
    %dma_wait3A_98 = arith.constant 5120 : i32
    %dma_wait3A_99 = tpu.memref_slice %arg17[%dma_wait3A_98] : memref<10240xf32, #tpu.memory_space<vmem>> -> memref<1280xf32, #tpu.memory_space<vmem>>
    %dma_wait3A_100 = tpu.memref_slice %arg8[%mul3A_97] : memref<327680xf32, #tpu.memory_space<hbm>> -> memref<1280xf32, #tpu.memory_space<hbm>>
    %dma_wait3A_101 = tpu.memref_slice %arg8[%mul3A_97] : memref<327680xf32, #tpu.memory_space<hbm>> -> memref<1280xf32, #tpu.memory_space<hbm>>
    %dma_wait3A_102 = arith.constant 5120 : i32
    %dma_wait3A_103 = tpu.memref_slice %arg17[%dma_wait3A_102] : memref<10240xf32, #tpu.memory_space<vmem>> -> memref<1280xf32, #tpu.memory_space<vmem>>
    tpu.wait_dma2 semaphore(%arg21 : memref<!tpu.dma_semaphore, #tpu.memory_space<semaphore_mem>>) src(%dma_wait3A_103 : memref<1280xf32, #tpu.memory_space<vmem>>) dst(%dma_wait3A_101 : memref<1280xf32, #tpu.memory_space<hbm>>)
    %mul3A_104 = arith.constant 640 : i32
    %mul3A_105 = arith.muli %add3A, %mul3A_104 : i32
    %add3A_106 = arith.constant 400 : i32
    %add3A_107 = arith.addi %mul3A_105, %add3A_106 : i32
    %mul3A_108 = arith.constant 16 : i32
    %mul3A_109 = arith.muli %add3A_107, %mul3A_108 : i32
    %dma_wait3A_110 = arith.constant 6400 : i32
    %dma_wait3A_111 = tpu.memref_slice %arg17[%dma_wait3A_110] : memref<10240xf32, #tpu.memory_space<vmem>> -> memref<1280xf32, #tpu.memory_space<vmem>>
    %dma_wait3A_112 = tpu.memref_slice %arg8[%mul3A_109] : memref<327680xf32, #tpu.memory_space<hbm>> -> memref<1280xf32, #tpu.memory_space<hbm>>
    %dma_wait3A_113 = tpu.memref_slice %arg8[%mul3A_109] : memref<327680xf32, #tpu.memory_space<hbm>> -> memref<1280xf32, #tpu.memory_space<hbm>>
    %dma_wait3A_114 = arith.constant 6400 : i32
    %dma_wait3A_115 = tpu.memref_slice %arg17[%dma_wait3A_114] : memref<10240xf32, #tpu.memory_space<vmem>> -> memref<1280xf32, #tpu.memory_space<vmem>>
    tpu.wait_dma2 semaphore(%arg21 : memref<!tpu.dma_semaphore, #tpu.memory_space<semaphore_mem>>) src(%dma_wait3A_115 : memref<1280xf32, #tpu.memory_space<vmem>>) dst(%dma_wait3A_113 : memref<1280xf32, #tpu.memory_space<hbm>>)
    %mul3A_116 = arith.constant 640 : i32
    %mul3A_117 = arith.muli %add3A, %mul3A_116 : i32
    %add3A_118 = arith.constant 480 : i32
    %add3A_119 = arith.addi %mul3A_117, %add3A_118 : i32
    %mul3A_120 = arith.constant 16 : i32
    %mul3A_121 = arith.muli %add3A_119, %mul3A_120 : i32
    %dma_wait3A_122 = arith.constant 7680 : i32
    %dma_wait3A_123 = tpu.memref_slice %arg17[%dma_wait3A_122] : memref<10240xf32, #tpu.memory_space<vmem>> -> memref<1280xf32, #tpu.memory_space<vmem>>
    %dma_wait3A_124 = tpu.memref_slice %arg8[%mul3A_121] : memref<327680xf32, #tpu.memory_space<hbm>> -> memref<1280xf32, #tpu.memory_space<hbm>>
    %dma_wait3A_125 = tpu.memref_slice %arg8[%mul3A_121] : memref<327680xf32, #tpu.memory_space<hbm>> -> memref<1280xf32, #tpu.memory_space<hbm>>
    %dma_wait3A_126 = arith.constant 7680 : i32
    %dma_wait3A_127 = tpu.memref_slice %arg17[%dma_wait3A_126] : memref<10240xf32, #tpu.memory_space<vmem>> -> memref<1280xf32, #tpu.memory_space<vmem>>
    tpu.wait_dma2 semaphore(%arg21 : memref<!tpu.dma_semaphore, #tpu.memory_space<semaphore_mem>>) src(%dma_wait3A_127 : memref<1280xf32, #tpu.memory_space<vmem>>) dst(%dma_wait3A_125 : memref<1280xf32, #tpu.memory_space<hbm>>)
    %mul3A_128 = arith.constant 640 : i32
    %mul3A_129 = arith.muli %add3A, %mul3A_128 : i32
    %add3A_130 = arith.constant 560 : i32
    %add3A_131 = arith.addi %mul3A_129, %add3A_130 : i32
    %mul3A_132 = arith.constant 16 : i32
    %mul3A_133 = arith.muli %add3A_131, %mul3A_132 : i32
    %dma_wait3A_134 = arith.constant 8960 : i32
    %dma_wait3A_135 = tpu.memref_slice %arg17[%dma_wait3A_134] : memref<10240xf32, #tpu.memory_space<vmem>> -> memref<1280xf32, #tpu.memory_space<vmem>>
    %dma_wait3A_136 = tpu.memref_slice %arg8[%mul3A_133] : memref<327680xf32, #tpu.memory_space<hbm>> -> memref<1280xf32, #tpu.memory_space<hbm>>
    %dma_wait3A_137 = tpu.memref_slice %arg8[%mul3A_133] : memref<327680xf32, #tpu.memory_space<hbm>> -> memref<1280xf32, #tpu.memory_space<hbm>>
    %dma_wait3A_138 = arith.constant 8960 : i32
    %dma_wait3A_139 = tpu.memref_slice %arg17[%dma_wait3A_138] : memref<10240xf32, #tpu.memory_space<vmem>> -> memref<1280xf32, #tpu.memory_space<vmem>>
    tpu.wait_dma2 semaphore(%arg21 : memref<!tpu.dma_semaphore, #tpu.memory_space<semaphore_mem>>) src(%dma_wait3A_139 : memref<1280xf32, #tpu.memory_space<vmem>>) dst(%dma_wait3A_137 : memref<1280xf32, #tpu.memory_space<hbm>>)
    return
  }
}

module attributes {stable_mosaic.version = 14 : i64} {
  func.func @_tc_finish_body(%arg0: memref<128x128xf32, #tpu.memory_space<vmem>>, %arg1: memref<2560x128xf32, #tpu.memory_space<vmem>>, %arg2: memref<1x1xf32, #tpu.memory_space<smem>>) attributes {dimension_semantics = [], scalar_prefetch = 0 : i64, scratch_operands = 0 : i64, tpu.core_type = #tpu.core_type<tc>} {
    %iota3A = tpu.iota {dimensions = array<i32: 0>} : vector<128x8xi32>
    %jit3A = arith.constant 16 : i32
    %div3A = vector.broadcast %jit3A : i32 to vector<128x8xi32>
    %div3A_0 = arith.divsi %iota3A, %div3A : vector<128x8xi32>
    %sign3A = arith.constant 0 : i32
    %sign3A_1 = vector.broadcast %sign3A : i32 to vector<128x8xi32>
    %sign3A_2 = arith.cmpi sgt, %iota3A, %sign3A_1 : vector<128x8xi32>
    %sign3A_3 = arith.extui %sign3A_2 : vector<128x8xi1> to vector<128x8xi32>
    %sign3A_4 = arith.constant 0 : i32
    %sign3A_5 = vector.broadcast %sign3A_4 : i32 to vector<128x8xi32>
    %sign3A_6 = arith.cmpi slt, %iota3A, %sign3A_5 : vector<128x8xi32>
    %sign3A_7 = arith.extui %sign3A_6 : vector<128x8xi1> to vector<128x8xi32>
    %sign3A_8 = arith.subi %sign3A_3, %sign3A_7 : vector<128x8xi32>
    %sign3A_9 = arith.constant 0 : i32
    %sign3A_10 = arith.cmpi sgt, %jit3A, %sign3A_9 : i32
    %sign3A_11 = arith.extui %sign3A_10 : i1 to i32
    %sign3A_12 = arith.constant 0 : i32
    %sign3A_13 = arith.cmpi slt, %jit3A, %sign3A_12 : i32
    %sign3A_14 = arith.extui %sign3A_13 : i1 to i32
    %sign3A_15 = arith.subi %sign3A_11, %sign3A_14 : i32
    %ne3A = vector.broadcast %sign3A_15 : i32 to vector<128x8xi32>
    %ne3A_16 = arith.cmpi ne, %sign3A_8, %ne3A : vector<128x8xi32>
    %rem3A = vector.broadcast %jit3A : i32 to vector<128x8xi32>
    %rem3A_17 = arith.remsi %iota3A, %rem3A : vector<128x8xi32>
    %ne3A_18 = arith.constant 0 : i32
    %ne3A_19 = vector.broadcast %ne3A_18 : i32 to vector<128x8xi32>
    %ne3A_20 = arith.cmpi ne, %rem3A_17, %ne3A_19 : vector<128x8xi32>
    %and3A = arith.andi %ne3A_16, %ne3A_20 : vector<128x8xi1>
    %sub3A = arith.constant 1 : i32
    %sub3A_21 = vector.broadcast %sub3A : i32 to vector<128x8xi32>
    %sub3A_22 = arith.subi %div3A_0, %sub3A_21 : vector<128x8xi32>
    %select_n3A = arith.select %and3A, %sub3A_22, %div3A_0 : vector<128x8xi1>, vector<128x8xi32>
    %iota3A_23 = tpu.iota {dimensions = array<i32: 1>} : vector<128x8xi32>
    %eq3A = arith.cmpi eq, %select_n3A, %iota3A_23 : vector<128x8xi32>
    %convert_element_type3A = arith.extui %eq3A : vector<128x8xi1> to vector<128x8xi32>
    %convert_element_type3A_24 = arith.sitofp %convert_element_type3A : vector<128x8xi32> to vector<128x8xf32>
    %get3A = arith.constant 0 : index
    %get3A_25 = arith.constant 0 : index
    %get3A_26 = vector.load %arg0[%get3A, %get3A_25] : memref<128x128xf32, #tpu.memory_space<vmem>>, vector<128x128xf32>
    %dot_general3A = arith.constant dense<0.000000e+00> : vector<128x8xf32>
    %dot_general3A_27 = tpu.matmul %get3A_26, %convert_element_type3A_24, %dot_general3A {dimension_numbers = #tpu.dot_dimension_numbers<[1], [0], [0], [1], [0, 0, 1, 1], [], []>, transpose_lhs_hint = false} : vector<128x128xf32>, vector<128x8xf32>, vector<128x8xf32> -> vector<128x8xf32>
    %get3A_28 = arith.constant 0 : index
    %get3A_29 = arith.constant 0 : index
    %get3A_30 = vector.load %arg1[%get3A_28, %get3A_29] : memref<2560x128xf32, #tpu.memory_space<vmem>>, vector<2560x128xf32>
    %dot_general3A_31 = arith.constant dense<0.000000e+00> : vector<2560x8xf32>
    %dot_general3A_32 = tpu.matmul %get3A_30, %convert_element_type3A_24, %dot_general3A_31 {dimension_numbers = #tpu.dot_dimension_numbers<[1], [0], [0], [1], [0, 0, 1, 1], [], []>, transpose_lhs_hint = false} : vector<2560x128xf32>, vector<128x8xf32>, vector<2560x8xf32> -> vector<2560x8xf32>
    %neg3A = arith.constant 0.000000e+00 : f32
    %neg3A_33 = vector.broadcast %neg3A : f32 to vector<128x8xf32>
    %neg3A_34 = arith.subf %neg3A_33, %dot_general3A_27 : vector<128x8xf32>
    %max3A = arith.constant 0.000000e+00 : f32
    %max3A_35 = vector.broadcast %max3A : f32 to vector<128x8xf32>
    %max3A_36 = arith.maximumf %neg3A_34, %max3A_35 : vector<128x8xf32>
    %abs3A = math.absf %dot_general3A_27 : vector<128x8xf32>
    %neg3A_37 = arith.constant 0.000000e+00 : f32
    %neg3A_38 = vector.broadcast %neg3A_37 : f32 to vector<128x8xf32>
    %neg3A_39 = arith.subf %neg3A_38, %abs3A : vector<128x8xf32>
    %exp3A = math.exp %neg3A_39 : vector<128x8xf32>
    %log1p3A = math.log1p %exp3A : vector<128x8xf32>
    %add3A = arith.addf %max3A_36, %log1p3A : vector<128x8xf32>
    %max3A_40 = arith.constant 0.000000e+00 : f32
    %max3A_41 = vector.broadcast %max3A_40 : f32 to vector<2560x8xf32>
    %max3A_42 = arith.maximumf %dot_general3A_32, %max3A_41 : vector<2560x8xf32>
    %abs3A_43 = math.absf %dot_general3A_32 : vector<2560x8xf32>
    %neg3A_44 = arith.constant 0.000000e+00 : f32
    %neg3A_45 = vector.broadcast %neg3A_44 : f32 to vector<2560x8xf32>
    %neg3A_46 = arith.subf %neg3A_45, %abs3A_43 : vector<2560x8xf32>
    %exp3A_47 = math.exp %neg3A_46 : vector<2560x8xf32>
    %log1p3A_48 = math.log1p %exp3A_47 : vector<2560x8xf32>
    %add3A_49 = arith.addf %max3A_42, %log1p3A_48 : vector<2560x8xf32>
    %reduce_sum3A = vector.shape_cast %add3A : vector<128x8xf32> to vector<1x128x8xf32>
    %reduce_sum3A_50 = arith.constant dense<0.000000e+00> : vector<1xf32>
    %reduce_sum3A_51 = vector.multi_reduction <add>, %reduce_sum3A, %reduce_sum3A_50 [1, 2] : vector<1x128x8xf32> to vector<1xf32>
    %reduce_sum3A_52 = vector.shape_cast %reduce_sum3A_51 : vector<1xf32> to vector<1x1x1xf32>
    %reduce_sum3A_53 = vector.extract %reduce_sum3A_52[0, 0, 0] : f32 from vector<1x1x1xf32>
    %div3A_54 = arith.constant 1.024000e+03 : f32
    %div3A_55 = arith.divf %reduce_sum3A_53, %div3A_54 : f32
    %reduce_sum3A_56 = vector.shape_cast %add3A_49 : vector<2560x8xf32> to vector<1x2560x8xf32>
    %reduce_sum3A_57 = arith.constant dense<0.000000e+00> : vector<1xf32>
    %reduce_sum3A_58 = vector.multi_reduction <add>, %reduce_sum3A_56, %reduce_sum3A_57 [1, 2] : vector<1x2560x8xf32> to vector<1xf32>
    %reduce_sum3A_59 = vector.shape_cast %reduce_sum3A_58 : vector<1xf32> to vector<1x1x1xf32>
    %reduce_sum3A_60 = vector.extract %reduce_sum3A_59[0, 0, 0] : f32 from vector<1x1x1xf32>
    %div3A_61 = arith.constant 2.048000e+04 : f32
    %div3A_62 = arith.divf %reduce_sum3A_60, %div3A_61 : f32
    %add3A_63 = arith.addf %div3A_55, %div3A_62 : f32
    %swap3A = arith.constant 0 : index
    %swap3A_64 = arith.constant 0 : index
    %swap3A_65 = memref.load %arg2[%swap3A, %swap3A_64] : memref<1x1xf32, #tpu.memory_space<smem>>
    memref.store %add3A_63, %arg2[%swap3A, %swap3A_64] : memref<1x1xf32, #tpu.memory_space<smem>>
    return
  }
}

</mosaic_0001>

<sc_bundles>
// kernel: kernel.4.cloned.1.call-start
scs
__scs_entry_jumppad:
0x0: {  	(pc) =	sbr.rel $0x88, $3  }
0x1: {  	(tag) =	ssettag $0x0;
	lr =	simm.s32 $0x1  }
0x2: {  	[smem:$0x3F9C] =	sst lr;
	_ =	strace $0xD0000000  }
0x3: {  	_ = 	snop  }
0x4: {  	_ = 	snop  }
0x5: {  	_ = 	snop  }
0x6: {  	_ = 	snop  }
0x7: {  	_ = 	snop  }
__scs_overlays_trampoline_lowered:
0x8: {  	[smem:$0x3FAB] =	sst s0  }
0x9: {  	[smem:$0x3FAC] =	sst s1  }
0xa: {  	[smem:$0x3FAD] =	sst s2  }
0xb: {  	[smem:$0x3FAE] =	sst s3  }
0xc: {  	[smem:$0x3FAF] =	sst s4  }
0xd: {  	[smem:$0x3FB0] =	sst s5  }
0xe: {  	[smem:$0x3FB1] =	sst s6  }
0xf: {  	[smem:$0x3FB2] =	sst s7  }
0x10: {  	[smem:$0x3FB3] =	sst s8  }
0x11: {  	[smem:$0x3FB4] =	sst s9;
	s0 =	simm.s32 @!p0 $0x0  }
0x12: {  	s1 =	sld [smem:$0x3F9A];
	s0 =	simm.s32 @p0 $0x1  }
0x13: {  	[smem:$0x3FB5] =	sst s0;
	s0 =	simm.s32 @!p1 $0x0  }
0x14: {  	s2 =	sld [smem:$0x3F99];
	s0 =	simm.s32 @p1 $0x1  }
0x15: {  	[smem:$0x3FB6] =	sst s0;
	s0 =	simm.s32 @!p2 $0x0  }
0x16: {  	s3 =	sld [smem:$0x3FDB];
	s0 =	simm.s32 @p2 $0x1  }
0x17: {  	s4 =	simm.s32 $0x1BF5;
	[smem:$0x3FB8] =	sst s0  }
0x18: {  	s0 =	sld [smem:$0x3F9B];
	_ =	swait.ge [sflag:s4], $0x0  }
0x19: {  	s7 =	sld [smem:$0x3F9C]  }
0x1a: {  	s8 =	sadd.s32 $0xFFFFE003, lr  }
0x1b: {  	s9 =	sadd.s32 $0xFFFFFEF7, lr;
	s5 =	simm.s32 $0xFFFFFFFF;
	p2 =	slt.u32 s8, $0xFFFFF086  }
0x1c: {  	p1 =	slt.u32 s9, $0xF7A;
	s5 =	simm.s32 @!p2 $0x0  }
0x1d: {  	s5 =	simm.s32 @p1 $0x1;
	p0 =	seq.s32 s7, s2  }
0x1e: {  	s7 =	smul.u32 @!p0 $0xF7A, s2;
	p2 =	seq.s32 @!p0 s5, $0x0  }
0x1f: {  	s9 =	smul.u32 $0xF7A, s1;
	s8 =	simm.s32 @!p0 $0x1BF5;
	p2 =	por !p2, p0  }
0x20: {  	[sflag:s8] =	ssyncset.s32 @!p0 $0xFFFFF086;
	s6 =	sadd.s32 @!p0 s3, s7;
	s7 =	simm.s32 @!p0 $0x108  }
0x21: {  	s3 =	sadd.s32 s3, s9;
	s6 =	sadd.s32 @!p0 $0x88, s6;
	s7 =	simm.s32 @p2 $0x1082  }
0x22: {  	[simem:s7], [sflag:s8] =	dma.local @!p0 [hbm:s6], $0xF7A  }
0x23: {  	s9 =	sor.u32 $0xD0000000, s2;
	s6 =	simm.s32 $0x108;
	_ =	swait.ge @!p0 [sflag:s8], $0x0  }
0x24: {  	s3 =	sadd.s32 $0x88, s3;
	s6 =	simm.s32 @!p1 $0x1082;
	[sflag:s4] =	ssyncset.s32 $0xFFFFF086  }
0x25: {  	[simem:s6], [sflag:s4] =	dma.local [hbm:s3], $0xF7A  }
0x26: {  	[smem:$0x3F9C] =	sst s1;
	(tag) =	ssettag s2;
	_ =	strace s9  }
0x27: {  	s1 =	sld [smem:$0x3FAC]  }
0x28: {  	s2 =	sld [smem:$0x3FAD]  }
0x29: {  	s4 =	sld [smem:$0x3FAF]  }
0x2a: {  	p0 =	seq.s32 s5, $0x0;
	s5 =	sld [smem:$0x3FB0]  }
0x2b: {  	s6 =	sld [smem:$0x3FB1]  }
0x2c: {  	s7 =	sld [smem:$0x3FB2]  }
0x2d: {  	s3 =	simm.s32 $0x108;
	s8 =	sld [smem:$0x3FB3]  }
0x2e: {  	s3 =	simm.s32 @!p0 $0x1082;
	s9 =	sld [smem:$0x3FB4]  }
0x2f: {  	lr =	sadd.s32 s0, s3;
	s0 =	sld [smem:$0x3FAB]  }
0x30: {  	s3 =	sld [smem:$0x3FAE]  }
0x31: {  	[smem:$0x3FB7] =	sst s10  }
0x32: {  	s10 =	sld [smem:$0x3FB5];
	_ =	sdelay $0x3  }
0x33: {  	p0 =	seq.s32 s10, $0x1;
	s10 =	sld [smem:$0x3FB7];
	_ =	sdelay $0x3  }
0x34: {  	[smem:$0x3FB7] =	sst s10  }
0x35: {  	s10 =	sld [smem:$0x3FB6];
	_ =	sdelay $0x3  }
0x36: {  	p1 =	seq.s32 s10, $0x1;
	s10 =	sld [smem:$0x3FB7];
	_ =	sdelay $0x3  }
0x37: {  	[smem:$0x3FB7] =	sst s10  }
0x38: {  	s10 =	sld [smem:$0x3FB8]  }
0x39: {  	_ = 	snop;
	(pc) =	sbr.ind lr, $3  }
0x3a: {  	_ = 	snop  }
0x3b: {  	_ = 	snop  }
0x3c: {  	p2 =	seq.s32 s10, $0x1;
	s10 =	sld [smem:$0x3FB7]  }
0x3d: {  	_ =	shalt  }
0x3e: {  	_ =	shalt  }
0x3f: {  	_ =	shalt  }
0x40: {  	_ =	shalt  }
0x41: {  	_ =	shalt  }
0x42: {  	_ =	shalt  }
0x43: {  	_ =	shalt  }
0x44: {  	_ =	shalt  }
0x45: {  	_ =	shalt  }
0x46: {  	_ =	shalt  }
0x47: {  	_ =	shalt  }
0x48: {  	_ =	shalt  }
0x49: {  	_ =	shalt  }
0x4a: {  	_ =	shalt  }
0x4b: {  	_ =	shalt  }
0x4c: {  	_ =	shalt  }
0x4d: {  	_ =	shalt  }
0x4e: {  	_ =	shalt  }
0x4f: {  	_ =	shalt  }
0x50: {  	_ =	shalt  }
0x51: {  	_ =	shalt  }
0x52: {  	_ =	shalt  }
0x53: {  	_ =	shalt  }
0x54: {  	_ =	shalt  }
0x55: {  	_ =	shalt  }
0x56: {  	_ =	shalt  }
0x57: {  	_ =	shalt  }
0x58: {  	_ =	shalt  }
0x59: {  	_ =	shalt  }
0x5a: {  	_ =	shalt  }
0x5b: {  	_ =	shalt  }
0x5c: {  	_ =	shalt  }
0x5d: {  	_ =	shalt  }
0x5e: {  	_ =	shalt  }
0x5f: {  	_ =	shalt  }
0x60: {  	_ =	shalt  }
0x61: {  	_ =	shalt  }
0x62: {  	_ =	shalt  }
0x63: {  	_ =	shalt  }
0x64: {  	_ =	shalt  }
0x65: {  	_ =	shalt  }
0x66: {  	_ =	shalt  }
0x67: {  	_ =	shalt  }
0x68: {  	_ =	shalt  }
0x69: {  	_ =	shalt  }
0x6a: {  	_ =	shalt  }
0x6b: {  	_ =	shalt  }
0x6c: {  	_ =	shalt  }
0x6d: {  	_ =	shalt  }
0x6e: {  	_ =	shalt  }
0x6f: {  	_ =	shalt  }
0x70: {  	_ =	shalt  }
0x71: {  	_ =	shalt  }
0x72: {  	_ =	shalt  }
0x73: {  	_ =	shalt  }
0x74: {  	_ =	shalt  }
0x75: {  	_ =	shalt  }
0x76: {  	_ =	shalt  }
0x77: {  	_ =	shalt  }
0x78: {  	_ =	shalt  }
0x79: {  	_ =	shalt  }
0x7a: {  	_ =	shalt  }
0x7b: {  	_ =	shalt  }
0x7c: {  	_ =	shalt  }
0x7d: {  	_ =	shalt  }
0x7e: {  	_ =	shalt  }
0x7f: {  	_ =	shalt  }
0x80: {  	_ =	shalt  }
0x81: {  	_ =	shalt  }
0x82: {  	_ =	shalt  }
0x83: {  	_ =	shalt  }
0x84: {  	_ =	shalt  }
0x85: {  	_ =	shalt  }
0x86: {  	_ =	shalt  }
0x87: {  	_ =	shalt  }
.Lfunc_end0:
.L_simem_size_0:
called_computation_lowered:
.L_overlay_start_0:
0x88: {  	s2 =	sld [smem:$0x3FD9]  }
0x89: {  	s3 =	sld [smem:$0x3FFE];
	_ =	sdelay $0x1  }
0x8a: {  	s1 =	srdreg.scid  }
0x8b: {  	s0 =	sand.u32 $0x1, s1  }
0x8c: {  	s17 =	sshll.u32 s0, $0xA;
	s2 =	sadd.s32 s3, s2  }
0x8d: {  	s2 =	sadd.s32 s2, s17  }
0x8e: {  	[smem:$0x3FC3] =	sst s2  }
0x8f: {  	_ = 	snop  }
0x90: {  	s2 =	sld [smem:$0x3FC9]  }
0x91: {  	s18 =	sld [smem:$0x3FC8]  }
0x92: {  	s4 =	sld [smem:$0x3FC6]  }
0x93: {  	s5 =	sld [smem:$0x3FC5];
	(tm) =	ssettm $0x1  }
0x94: {  	s6 =	sld [smem:$0x3FFB];
	_ =	sdelay $0x3  }
0x95: {  	_ =	strace s6  }
0x96: {  	s6 =	sld [smem:$0x3FFC];
	_ =	sdelay $0x3  }
0x97: {  	_ =	strace s6  }
0x98: {  	s6 =	sld [smem:$0x3FFD];
	_ =	sdelay $0x3  }
0x99: {  	_ =	strace s6  }
0x9a: {  	_ =	strace $0x8FFFFFFF  }
0x9b: {  	s19 =	sld [smem:$0x3FDB];
	_ =	sdelay $0x1  }
0x9c: {  	s7 =	simm.s32 $_scs_section_size  }
0x9d: {  	s8 =	simm.s32 $_size__tile_overlayer_lowered;
	s9 =	simm.s32 $_tile_overlayer_lowered  }
0x9e: {  	s22 =	simm.s32 $0x1BFF;
	s21 =	sshll.u32 s9, $0x1;
	s6 =	sadd.s32 s7, s19  }
0x9f: {  	s10 =	simm.s32 $0x0;
	s20 =	sshll.u32 s8, $0x1;
	s8 =	sadd.s32 s21, s6  }
0xa0: {  	[timem:s10], [sflag:s22] =	dma.local [hbm:s8], s20  }
0xa1: {  	_ =	swait.ge [sflag:s22], s20  }
0xa2: {  	s7 =	ssub.s32 $0x0, s20;
	[sflag:s22] =	ssyncset.done $0x0  }
0xa3: {  	[sflag:s22] =	ssyncadd.s32 s7;
	_ =	sdelay $0x1  }
0xa4: {  	s23 =	simm.s32 $0x1B8B  }
0xa5: {  	_ =	swait.ge [sflag:s23], $0x1  }
0xa6: {  	[sflag:s23] =	ssyncset.done $0x0  }
0xa7: {  	s25 =	simm.s32 $0x1B8E;
	s24 =	sld [smem:$0x3FFE];
	[sflag:s23] =	ssyncadd.s32 $0xFFFFFFFF  }
0xa8: {  	s26 =	simm.s32 $execute0_lowered;
	[smem:$0x3FD2] =	sst s25  }
0xa9: {  	s8 =	sshll.u32 s26, $0x1;
	_ =	strace $0x80000046;
	[dreg:$0x1] =	wrdreg $0xFFFFFFFF  }
0xaa: {  	s28 =	simm.s32 $_size_execute0_lowered;
	s6 =	sadd.s32 s6, s8;
	[dreg:$0x0] =	wrdreg $0x0  }
0xab: {  	s8 =	sshll.u32 s28, $0x1;
	[dreg:$0x2] =	wrdreg s6  }
0xac: {  	[dreg:$0x3] =	wrdreg s8  }
0xad: {  	[dreg:$0x4] =	wrdreg $0xC0  }
0xae: {  	_ =	task [dreg:s10], $0x5FFFF  }
0xaf: {  	[dreg:$0x1] =	wrdreg $0xFFFFFFFF  }
0xb0: {  	[dreg:$0x0] =	wrdreg $0x60  }
0xb1: {  	[dreg:$0x2] =	wrdreg s2  }
0xb2: {  	[dreg:$0x3] =	wrdreg s18  }
0xb3: {  	[dreg:$0x4] =	wrdreg s24  }
0xb4: {  	[dreg:$0x5] =	wrdreg s4  }
0xb5: {  	[dreg:$0x6] =	wrdreg s5  }
0xb6: {  	[dreg:$0x7] =	wrdreg $0x9  }
0xb7: {  	_ =	task.clear_ibuf [dreg:s10], $0x8FFFF;
	_ =	strace $0x90000046  }
0xb8: {  	s29 =	simm.s32 $0x9;
	_ =	strace $0x80000048  }
0xb9: {  	_ =	swait.ge [sflag:s29], $0x1  }
0xba: {  	[sflag:s29] =	ssyncadd.s32 $0xFFFFFFFF  }
0xbb: {  	_ =	strace $0x90000048  }
0xbc: {  	_ =	sfence  }
0xbd: {  	s30 =	sld [smem:$0x0];
	_ =	sdelay $0x2  }
0xbe: {  	s31 =	sshll.u32 s1, $0xD;
	s1 =	sshrl.u32 s1, $0x2  }
0xbf: {  	s3 =	sand.u32 $0x4000, s31;
	s1 =	sadd.s32 s1, s30  }
0xc0: {  	s0 =	sor.u32 s3, s0;
	s1 =	sshll.u32 s1, $0x11  }
0xc1: {  	s0 =	sor.u32 s1, s0  }
0xc2: {  	s0 =	sadd.s32 $0x8F2B, s0  }
0xc3: {  	[sflag:s0] =	ssyncadd.remote.s32 $0x1  }
0xc4: {  	_ =	sfence.sel $0xFFFF  }
0xc5: {  	[dreg:$0x0] =	wrdreg $0xFFFFFFFF;
	(pc) =	sbr.abs _section_cstart, $3  }
0xc6: {  	[dreg:$0x1] =	wrdreg $0xFFFFFFFF  }
0xc7: {  	_ =	task.clear_ibuf [dreg:s10], $0x2FFFF;
	_ =	strace $0x9FFFFFFF  }
0xc8: {  	(tm) =	ssettm $0x7FFFFFFF  }
0xc9: {  	_ =	shalt  }
tec
execute0_lowered:
.L_overlay_start_1:
0x0: {  	(tag) =	ssettag $0x1  }
0x1: {  	s0 =	rddreg [dreg:$0x0]  }
0x2: {  	s1 =	rddreg [dreg:$0x1]  }
0x3: {  	s2 =	rddreg [dreg:$0x2];
	s3 =	srdreg.scid  }
0x4: {  	s4 =	stileid.u32;
	s13 =	simm.s32 $0x5;
	s19 =	simm.s32 $0x50  }
0x5: {  	s22 =	simm.s32 $0x4B80;
	s23 =	simm.s32 $0x1;
	s24 =	simm.s32 $0x7380  }
0x6: {  	s25 =	simm.s32 $0x2;
	s26 =	simm.s32 $0x3;
	s28 =	simm.s32 $0x4  }
0x7: {  	s29 =	simm.s32 $0x0;
	s6 =	sand.u32 $0x1, s3;
	s4 =	sshll.u32 s4, $0x1  }
0x8: {  	s3 =	rddreg [dreg:$0x4];
	s7 =	sor.u32 s6, s4;
	s4 =	simm.s32 $0x0  }
0x9: {  	s10 =	ssub.s32 $0x2, s6;
	s6 =	sadd.s32 $0x1600, s2;
	s5 =	smul.u32 $0x280, s7  }
0xa: {  	[smem:$0x7FF] =	sst s4;
	s9 =	sshll.u32 s7, $0x6;
	s30 =	sshrl.u32 s10, $0x1  }
.Ltmp0:
0xb: {  	s7 =	sshll.u32 s7, $0x2;
	_ =	strace $0x80000047;
	(pc) =	sbr.rel .LBB2_1-.Ltmp0, $4  }
0xc: {  	s11 =	sadd.s32 s9, s2;
	s12 =	ssub.s32 s10, s30;
	s0 =	sadd.s32 s0, s7  }
0xd: {  	s31 =	sadd.s32 s1, s7;
	s8 =	sshrl.u32 s5, $0x3;
	[dreg:$0x6] =	wrdreg s0  }
0xe: {  	[dreg:$0x7] =	wrdreg s31;
	s10 =	sadd.s32 $0xB600, s11;
	s8 =	sadd.s32 s8, s2  }
0xf: {  	s11 =	sadd.s32 $0x16A0, s2;
	s12 =	smax.u32 s12, $0x1;
	s9 =	sadd.s32 $0xC00, s8  }
.LBB2_14:
0x10: {  	_ =	swait.ge [sflag:s28], $0x200  }
0x11: {  	[sflag:s28] =	ssyncset.done $0x0  }
0x12: {  	[sflag:s28] =	ssyncadd.s32 $0xFFFFFE00  }
0x13: {  	_ =	swait.ge [sflag:s28], $0x500  }
0x14: {  	[sflag:s28] =	ssyncset.done $0x0  }
0x15: {  	[sflag:s28] =	ssyncadd.s32 $0xFFFFFB00  }
0x16: {  	_ =	swait.ge [sflag:s28], $0x500  }
0x17: {  	[sflag:s28] =	ssyncset.done $0x0  }
0x18: {  	[sflag:s28] =	ssyncadd.s32 $0xFFFFFB00  }
0x19: {  	_ =	swait.ge [sflag:s28], $0x500  }
0x1a: {  	[sflag:s28] =	ssyncset.done $0x0  }
0x1b: {  	[sflag:s28] =	ssyncadd.s32 $0xFFFFFB00  }
0x1c: {  	_ =	swait.ge [sflag:s28], $0x500  }
0x1d: {  	[sflag:s28] =	ssyncset.done $0x0  }
0x1e: {  	[sflag:s28] =	ssyncadd.s32 $0xFFFFFB00  }
0x1f: {  	_ =	swait.ge [sflag:s28], $0x500  }
0x20: {  	[sflag:s28] =	ssyncset.done $0x0  }
0x21: {  	[sflag:s28] =	ssyncadd.s32 $0xFFFFFB00  }
0x22: {  	_ =	swait.ge [sflag:s28], $0x500  }
0x23: {  	[sflag:s28] =	ssyncset.done $0x0  }
0x24: {  	s29 =	sadd.s32 $0x1, s29;
	[sflag:s28] =	ssyncadd.s32 $0xFFFFFB00  }
0x25: {  	p0 =	sne.s32 s29, s12;
	_ =	swait.ge [sflag:s28], $0x500  }
.Ltmp1:
0x26: {  	[sflag:s28] =	ssyncset.done $0x0;
	(pc) =	sbr.rel @!p0 .LBB2_15-.Ltmp1, $4  }
0x27: {  	[sflag:s28] =	ssyncadd.s32 $0xFFFFFB00  }
0x28: {  	_ =	swait.ge [sflag:s28], $0x500  }
0x29: {  	[sflag:s28] =	ssyncset.done $0x0  }
0x2a: {  	[sflag:s28] =	ssyncadd.s32 $0xFFFFFB00  }
.LBB2_1:
0x2b: {  	s0 =	rddreg [dreg:$0x6]  }
0x2c: {  	[tilespmem:s4], [sflag:$0x5] =	stream.linear.gather [hbm4b:s0+s4], $0x20, $0x38;
	[tilespmem:$0x9D80] =	vst v63  }
0x2d: {  	_ =	swait.ge [sflag:s13], $0x20  }
0x2e: {  	[sflag:s13] =	ssyncset.done $0x0  }
0x2f: {  	s1 =	simm.s32 $0x80;
	s17 =	rddreg [dreg:$0x7];
	[sflag:s13] =	ssyncadd.s32 $0xFFFFFFE0  }
0x30: {  	[tilespmem:s1], [sflag:$0x5] =	stream.linear.gather [hbm4b:s17+s4], $0x20, $0x38;
	[tilespmem:$0x9D80] =	vst v63  }
0x31: {  	_ =	swait.ge [sflag:s13], $0x20  }
0x32: {  	[sflag:s13] =	ssyncset.done $0x0  }
0x33: {  	s2 =	simm.s32 $0x100;
	[sflag:s13] =	ssyncadd.s32 $0xFFFFFFE0  }
0x34: {  	[tilespmem:s2], [sflag:$0x5] =	stream.linear.gather [hbm4b:s9+s4], $0x280, $0x38;
	[tilespmem:$0x9D80] =	vst v63  }
0x35: {  	_ =	swait.ge [sflag:s13], $0x280  }
0x36: {  	[sflag:s13] =	ssyncset.done $0x0  }
0x37: {  	[sflag:s13] =	ssyncadd.s32 $0xFFFFFD80  }
0x38: {  	s7 =	simm.s32 $0x20;
	s8 =	simm.s32 $0x380;
	s18 =	rddreg [dreg:$0x3]  }
0x39: {  	[tilespmem:s8], [sflag:$0x1] =	stream.indirect.gather [hbm4b:s18+s7], $0x80, s4, s7, $0xb8;
	[tilespmem:$0x9D80] =	vst v63  }
0x3a: {  	s20 =	simm.s32 $0x1380  }
0x3b: {  	[tilespmem:s20], [sflag:$0x1] =	stream.indirect.gather [hbm4b:s3+s7], $0x80, s1, s7, $0xb8;
	[tilespmem:$0x9D80] =	vst v63  }
0x3c: {  	s21 =	simm.s32 $0x2380  }
0x3d: {  	[tilespmem:s21], [sflag:$0x2] =	stream.indirect.gather [hbm4b:s3+s19], $0x80, s2, s19, $0xb8;
	[tilespmem:$0x9D80] =	vst v63  }
0x3e: {  	s30 =	simm.s32 $0x150  }
0x3f: {  	[tilespmem:s22], [sflag:$0x3] =	stream.indirect.gather [hbm4b:s3+s19], $0x80, s30, s19, $0xb8;
	[tilespmem:$0x9D80] =	vst v63  }
0x40: {  	_ =	swait.ge [sflag:s23], $0x1000  }
0x41: {  	[sflag:s23] =	ssyncset.done $0x0  }
0x42: {  	[sflag:s23] =	ssyncadd.s32 $0xFFFFF000  }
0x43: {  	_ =	swait.ge [sflag:s23], $0x1000  }
0x44: {  	[sflag:s23] =	ssyncset.done $0x0  }
0x45: {  	s31 =	simm.s32 $0x0;
	[sflag:s23] =	ssyncadd.s32 $0xFFFFF000  }
0x46: {  	v0 =	vld [tilespmem:s31+$0x1380]  }
0x47: {  	v1 =	vld [tilespmem:s31+$0x380]  }
0x48: {  	v2 =	vld [tilespmem:s31+$0x390]  }
0x49: {  	v3 =	vld [tilespmem:s31+$0x1390]  }
0x4a: {  	v4 =	vld [tilespmem:s31+$0x3A0]  }
0x4b: {  	v5 =	vld [tilespmem:s31+$0x13A0]  }
0x4c: {  	v6 =	vld [tilespmem:s31+$0x3B0]  }
0x4d: {  	v7 =	vld [tilespmem:s31+$0x13B0]  }
0x4e: {  	v8 =	vld [tilespmem:s31+$0x3C0]  }
0x4f: {  	v9 =	vld [tilespmem:s31+$0x13C0]  }
0x50: {  	v10 =	vld [tilespmem:s31+$0x3D0]  }
0x51: {  	v11 =	vld [tilespmem:s31+$0x13D0]  }
0x52: {  	v12 =	vld [tilespmem:s31+$0x3E0]  }
0x53: {  	v13 =	vld [tilespmem:s31+$0x13E0]  }
0x54: {  	v14 =	vld [tilespmem:s31+$0x3F0]  }
0x55: {  	v15 =	vld [tilespmem:s31+$0x13F0];
	_ =	sdelay $0x1  }
0x56: {  	v0 =	vmul.f32 v0, v1;
	v1 =	vmul.f32 v3, v2  }
0x57: {  	v2 =	vmul.f32 v5, v4;
	v3 =	vmul.f32 v7, v6  }
0x58: {  	v4 =	vmul.f32 v9, v8;
	v5 =	vmul.f32 v11, v10  }
0x59: {  	v6 =	vmul.f32 v13, v12;
	v7 =	vmul.f32 v15, v14  }
0x5a: {  	v0 =	vadd.f32 v1, v0;
	v1 =	vadd.f32 v3, v2  }
0x5b: {  	v2 =	vadd.f32 v5, v4;
	v3 =	vadd.f32 v7, v6;
	_ =	sdelay $0x1  }
0x5c: {  	v0 =	vadd.f32 v1, v0;
	v1 =	vadd.f32 v3, v2;
	_ =	sdelay $0x1  }
0x5d: {  	v0 =	vadd.f32 v1, v0;
	_ =	sdelay $0x1  }
0x5e: {  	s2 =	simm.s32 $0x80;
	[tilespmem:s24+$0x0] =	vst v0  }
0x5f: {  	v0 =	vld [tilespmem:s2+$0x1380]  }
0x60: {  	v1 =	vld [tilespmem:s2+$0x380]  }
0x61: {  	v2 =	vld [tilespmem:s2+$0x390]  }
0x62: {  	v3 =	vld [tilespmem:s2+$0x1390]  }
0x63: {  	v4 =	vld [tilespmem:s2+$0x3A0]  }
0x64: {  	v5 =	vld [tilespmem:s2+$0x13A0]  }
0x65: {  	v6 =	vld [tilespmem:s2+$0x3B0]  }
0x66: {  	v7 =	vld [tilespmem:s2+$0x13B0]  }
0x67: {  	v8 =	vld [tilespmem:s2+$0x3C0]  }
0x68: {  	v9 =	vld [tilespmem:s2+$0x13C0]  }
0x69: {  	v10 =	vld [tilespmem:s2+$0x3D0]  }
0x6a: {  	v11 =	vld [tilespmem:s2+$0x13D0]  }
0x6b: {  	v12 =	vld [tilespmem:s2+$0x3E0]  }
0x6c: {  	v13 =	vld [tilespmem:s2+$0x13E0]  }
0x6d: {  	s0 =	simm.s32 $0x7380;
	s1 =	simm.s32 $0x400;
	v14 =	vld [tilespmem:s2+$0x3F0]  }
.LBB2_2:
0x6e: {  	p0 =	sne.s32 s1, $0x3E00;
	v15 =	vld [tilespmem:s2+$0x13F0];
	_ =	sdelay $0x1  }
0x6f: {  	v0 =	vmul.f32 v0, v1;
	v1 =	vmul.f32 v3, v2  }
0x70: {  	v2 =	vmul.f32 v5, v4;
	v3 =	vmul.f32 v7, v6  }
0x71: {  	v4 =	vmul.f32 v9, v8;
	v5 =	vmul.f32 v11, v10  }
0x72: {  	v6 =	vmul.f32 v13, v12;
	v7 =	vmul.f32 v15, v14  }
0x73: {  	v0 =	vadd.f32 v1, v0;
	v1 =	vadd.f32 v3, v2  }
0x74: {  	v2 =	vadd.f32 v5, v4;
	v3 =	vadd.f32 v7, v6;
	_ =	sdelay $0x1  }
0x75: {  	v0 =	vadd.f32 v1, v0;
	v1 =	vadd.f32 v3, v2;
	_ =	sdelay $0x1  }
0x76: {  	v0 =	vadd.f32 v1, v0  }
0x77: {  	s0 =	sadd.s32 $0x10, s0  }
0x78: {  	s2 =	sshra.s32 s1, $0x2;
	[tilespmem:s0+$0x0] =	vst v0  }
0x79: {  	v0 =	vld [tilespmem:s2+$0x1380]  }
0x7a: {  	v1 =	vld [tilespmem:s2+$0x380]  }
0x7b: {  	v2 =	vld [tilespmem:s2+$0x390]  }
0x7c: {  	v3 =	vld [tilespmem:s2+$0x1390]  }
0x7d: {  	v4 =	vld [tilespmem:s2+$0x3A0]  }
0x7e: {  	v5 =	vld [tilespmem:s2+$0x13A0]  }
0x7f: {  	v6 =	vld [tilespmem:s2+$0x3B0]  }
0x80: {  	v7 =	vld [tilespmem:s2+$0x13B0]  }
0x81: {  	v8 =	vld [tilespmem:s2+$0x3C0]  }
0x82: {  	v9 =	vld [tilespmem:s2+$0x13C0]  }
.Ltmp2:
0x83: {  	v10 =	vld [tilespmem:s2+$0x3D0];
	(pc) =	sbr.rel @p0 .LBB2_2-.Ltmp2, $4  }
0x84: {  	v11 =	vld [tilespmem:s2+$0x13D0]  }
0x85: {  	v12 =	vld [tilespmem:s2+$0x3E0]  }
0x86: {  	v13 =	vld [tilespmem:s2+$0x13E0]  }
0x87: {  	s1 =	sadd.s32 $0x200, s1;
	v14 =	vld [tilespmem:s2+$0x3F0]  }
0x88: {  	v15 =	vld [tilespmem:s2+$0x13F0];
	_ =	sdelay $0x1  }
0x89: {  	v0 =	vmul.f32 v0, v1;
	v53 =	vmul.f32 v3, v2  }
0x8a: {  	v54 =	vmul.f32 v5, v4;
	v55 =	vmul.f32 v7, v6  }
0x8b: {  	v56 =	vmul.f32 v9, v8;
	v57 =	vmul.f32 v11, v10  }
0x8c: {  	v58 =	vmul.f32 v13, v12;
	v59 =	vmul.f32 v15, v14  }
0x8d: {  	v0 =	vadd.f32 v53, v0;
	v60 =	vadd.f32 v55, v54  }
0x8e: {  	v61 =	vadd.f32 v57, v56;
	v62 =	vadd.f32 v59, v58;
	_ =	sdelay $0x1  }
0x8f: {  	v0 =	vadd.f32 v60, v0;
	v63 =	vadd.f32 v62, v61;
	_ =	sdelay $0x1  }
0x90: {  	v0 =	vadd.f32 v63, v0  }
0x91: {  	s0 =	sadd.s32 $0x10, s0  }
0x92: {  	s30 =	simm.s32 $0x0;
	s31 =	simm.s32 $0x7580;
	s14 =	simm.s32 $0x7A80;
	[tilespmem:s0+$0x0] =	vst v0  }
0x93: {  	[hbm4b:s10+s30] =	stream.linear.scatter [tilespmem:s24], [sflag:$0x4], $0x200, $0x38;
	[tilespmem:$0x9D80] =	vst v63  }
.LBB2_4:
0x94: {  	_ =	swait.ge [sflag:s25], $0x2800  }
0x95: {  	s2 =	sshll.u32 s30, $0x3;
	s0 =	simm.s32 $0x23C0;
	[sflag:s25] =	ssyncset.done $0x0  }
0x96: {  	s17 =	smov.u32 s31;
	s18 =	simm.s32 $0x0;
	[sflag:s25] =	ssyncadd.s32 $0xFFFFD800  }
.LBB2_5:
0x97: {  	v9 =	vld [tilespmem:s0+$0xFFFFFFC0]  }
0x98: {  	v10 =	vld [tilespmem:s0+$0xFFFFFFD0]  }
0x99: {  	v11 =	vld [tilespmem:s0+$0xFFFFFFE0]  }
0x9a: {  	v12 =	vld [tilespmem:s0+$0xFFFFFFF0]  }
0x9b: {  	v13 =	vld [tilespmem:s0+$0x0]  }
0x9c: {  	s1 =	sadd.s32 s2, s18;
	v14 =	vld [tilespmem:s0+$0x10]  }
0x9d: {  	v15 =	vld [tilespmem:s0+$0x20];
	s1 =	sshll.u32 s1, $0x7  }
0x9e: {  	v16 =	vld [tilespmem:s0+$0x30];
	s1 =	sand.u32 $0x3FFFFF80, s1  }
0x9f: {  	v1 =	vld [tilespmem:s1+$0x380]  }
0xa0: {  	v2 =	vld [tilespmem:s1+$0x390]  }
0xa1: {  	v3 =	vld [tilespmem:s1+$0x3A0]  }
0xa2: {  	v4 =	vld [tilespmem:s1+$0x3B0]  }
0xa3: {  	v5 =	vld [tilespmem:s1+$0x3C0]  }
0xa4: {  	v6 =	vld [tilespmem:s1+$0x3D0]  }
0xa5: {  	v7 =	vld [tilespmem:s1+$0x3E0]  }
0xa6: {  	v0 =	vmov s17;
	s7 =	simm.s32 $0x40;
	s15 =	smov.u32 s0;
	v8 =	vld [tilespmem:s1+$0x3F0];
	s1 =	simm.s32 $0x0  }
.LBB2_6:
0xa7: {  	p0 =	sne.s32 s7, $0x4C0  }
0xa8: {  	v9 =	vmul.f32 v9, v1;
	v10 =	vmul.f32 v10, v2  }
0xa9: {  	v11 =	vmul.f32 v11, v3;
	v12 =	vmul.f32 v12, v4  }
0xaa: {  	v13 =	vmul.f32 v13, v5;
	v14 =	vmul.f32 v14, v6  }
0xab: {  	v15 =	vmul.f32 v15, v7;
	v16 =	vmul.f32 v16, v8  }
0xac: {  	v9 =	vadd.f32 v10, v9;
	v10 =	vadd.f32 v12, v11  }
0xad: {  	v11 =	vadd.f32 v14, v13;
	v12 =	vadd.f32 v16, v15;
	_ =	sdelay $0x1  }
0xae: {  	v9 =	vadd.f32 v10, v9;
	v10 =	vadd.f32 v12, v11;
	_ =	sdelay $0x1  }
0xaf: {  	v9 =	vadd.f32 v10, v9  }
0xb0: {  	s8 =	sshra.s32 s1, $0x2;
	s1 =	smov.u32 s7  }
0xb1: {  	s15 =	sadd.s32 $0x80, s15;
	[tilespmem:v0+s8+$0x0 ss:$0x1] =	vst.idx.msk $0xffff, v9  }
0xb2: {  	v9 =	vld [tilespmem:s15+$0xFFFFFFC0]  }
0xb3: {  	v10 =	vld [tilespmem:s15+$0xFFFFFFD0]  }
0xb4: {  	v11 =	vld [tilespmem:s15+$0xFFFFFFE0]  }
.Ltmp3:
0xb5: {  	v12 =	vld [tilespmem:s15+$0xFFFFFFF0];
	(pc) =	sbr.rel @p0 .LBB2_6-.Ltmp3, $4  }
0xb6: {  	v13 =	vld [tilespmem:s15+$0x0]  }
0xb7: {  	v14 =	vld [tilespmem:s15+$0x10]  }
0xb8: {  	v15 =	vld [tilespmem:s15+$0x20]  }
0xb9: {  	s7 =	sadd.s32 $0x40, s7;
	v16 =	vld [tilespmem:s15+$0x30]  }
0xba: {  	_ = 	snop  }
0xbb: {  	v1 =	vmul.f32 v9, v1;
	v2 =	vmul.f32 v10, v2  }
0xbc: {  	v3 =	vmul.f32 v11, v3;
	v4 =	vmul.f32 v12, v4  }
0xbd: {  	v5 =	vmul.f32 v13, v5;
	v6 =	vmul.f32 v14, v6  }
0xbe: {  	v7 =	vmul.f32 v15, v7;
	v8 =	vmul.f32 v16, v8  }
0xbf: {  	v1 =	vadd.f32 v2, v1;
	v60 =	vadd.f32 v4, v3  }
0xc0: {  	s18 =	sadd.s32 $0x1, s18;
	v61 =	vadd.f32 v6, v5;
	v62 =	vadd.f32 v8, v7  }
0xc1: {  	p0 =	sne.s32 s18, $0x4  }
.Ltmp4:
0xc2: {  	v1 =	vadd.f32 v60, v1;
	v63 =	vadd.f32 v62, v61;
	(pc) =	sbr.rel @p0 .LBB2_5-.Ltmp4, $4  }
0xc3: {  	_ = 	snop  }
0xc4: {  	v1 =	vadd.f32 v63, v1  }
0xc5: {  	s1 =	sshra.s32 s1, $0x2  }
0xc6: {  	s17 =	sadd.s32 $0x140, s17;
	s0 =	sadd.s32 $0xA00, s0;
	[tilespmem:v0+s1+$0x0 ss:$0x1] =	vst.idx.msk $0xffff, v1  }
0xc7: {  	s0 =	smul.u32 $0xA0, s30  }
0xc8: {  	s1 =	smul.u32 $0x2800, s30  }
0xc9: {  	s7 =	sadd.s32 s5, s0  }
0xca: {  	s18 =	sshra.s32 s1, $0x2;
	s17 =	sshll.u32 s7, $0x1  }
0xcb: {  	p0 =	seq.s32 s30, $0x3;
	s21 =	sadd.s32 $0x7580, s18;
	s20 =	sadd.s32 s6, s17  }
0xcc: {  	[hbm4b:s20+s4] =	stream.linear.scatter [tilespmem:s21], [sflag:$0x4], $0x500, $0x38;
	[tilespmem:$0x9D80] =	vst v63  }
0xcd: {  	s8 =	simm.s32 @!p0 $0x2380;
	s1 =	sadd.s32 @!p0 $0x1A0, s0;
	s7 =	simm.s32 @!p0 $0x50  }
0xce: {  	[tilespmem:s8], [sflag:$0x2] =	stream.indirect.gather @!p0 [hbm4b:s3+s7], $0x80, s1, s7, $0xb8;
	[tilespmem:$0x9D80] =	vst v63  }
0xcf: {  	_ =	swait.ge [sflag:s26], $0x2800  }
0xd0: {  	s2 =	sor.u32 $0x4, s2;
	s20 =	simm.s32 $0x0;
	[sflag:s26] =	ssyncset.done $0x0  }
0xd1: {  	s8 =	simm.s32 $0x4BC0;
	s1 =	smov.u32 s14;
	[sflag:s26] =	ssyncadd.s32 $0xFFFFD800  }
.LBB2_9:
0xd2: {  	v9 =	vld [tilespmem:s8+$0xFFFFFFC0]  }
0xd3: {  	v10 =	vld [tilespmem:s8+$0xFFFFFFD0]  }
0xd4: {  	v11 =	vld [tilespmem:s8+$0xFFFFFFE0]  }
0xd5: {  	v12 =	vld [tilespmem:s8+$0xFFFFFFF0]  }
0xd6: {  	v13 =	vld [tilespmem:s8+$0x0]  }
0xd7: {  	s7 =	sadd.s32 s2, s20;
	v14 =	vld [tilespmem:s8+$0x10]  }
0xd8: {  	v15 =	vld [tilespmem:s8+$0x20];
	s7 =	sshll.u32 s7, $0x7  }
0xd9: {  	v16 =	vld [tilespmem:s8+$0x30];
	s7 =	sand.u32 $0x3FFFFF80, s7  }
0xda: {  	v1 =	vld [tilespmem:s7+$0x380]  }
0xdb: {  	v2 =	vld [tilespmem:s7+$0x390]  }
0xdc: {  	v3 =	vld [tilespmem:s7+$0x3A0]  }
0xdd: {  	v4 =	vld [tilespmem:s7+$0x3B0]  }
0xde: {  	v5 =	vld [tilespmem:s7+$0x3C0]  }
0xdf: {  	v6 =	vld [tilespmem:s7+$0x3D0]  }
0xe0: {  	v7 =	vld [tilespmem:s7+$0x3E0]  }
0xe1: {  	v0 =	vmov s1;
	s15 =	simm.s32 $0x40;
	s21 =	smov.u32 s8;
	v8 =	vld [tilespmem:s7+$0x3F0];
	s7 =	simm.s32 $0x0  }
.LBB2_10:
0xe2: {  	p1 =	sne.s32 s15, $0x4C0  }
0xe3: {  	v9 =	vmul.f32 v9, v1;
	v10 =	vmul.f32 v10, v2  }
0xe4: {  	v11 =	vmul.f32 v11, v3;
	v12 =	vmul.f32 v12, v4  }
0xe5: {  	v13 =	vmul.f32 v13, v5;
	v14 =	vmul.f32 v14, v6  }
0xe6: {  	v15 =	vmul.f32 v15, v7;
	v16 =	vmul.f32 v16, v8  }
0xe7: {  	v9 =	vadd.f32 v10, v9;
	v10 =	vadd.f32 v12, v11  }
0xe8: {  	v11 =	vadd.f32 v14, v13;
	v12 =	vadd.f32 v16, v15;
	_ =	sdelay $0x1  }
0xe9: {  	v9 =	vadd.f32 v10, v9;
	v10 =	vadd.f32 v12, v11;
	_ =	sdelay $0x1  }
0xea: {  	v9 =	vadd.f32 v10, v9  }
0xeb: {  	s16 =	sshra.s32 s7, $0x2;
	s7 =	smov.u32 s15  }
0xec: {  	s21 =	sadd.s32 $0x80, s21;
	[tilespmem:v0+s16+$0x0 ss:$0x1] =	vst.idx.msk $0xffff, v9  }
0xed: {  	v9 =	vld [tilespmem:s21+$0xFFFFFFC0]  }
0xee: {  	v10 =	vld [tilespmem:s21+$0xFFFFFFD0]  }
0xef: {  	v11 =	vld [tilespmem:s21+$0xFFFFFFE0]  }
.Ltmp5:
0xf0: {  	v12 =	vld [tilespmem:s21+$0xFFFFFFF0];
	(pc) =	sbr.rel @p1 .LBB2_10-.Ltmp5, $4  }
0xf1: {  	v13 =	vld [tilespmem:s21+$0x0]  }
0xf2: {  	v14 =	vld [tilespmem:s21+$0x10]  }
0xf3: {  	v15 =	vld [tilespmem:s21+$0x20]  }
0xf4: {  	s15 =	sadd.s32 $0x40, s15;
	v16 =	vld [tilespmem:s21+$0x30]  }
0xf5: {  	_ = 	snop  }
0xf6: {  	v1 =	vmul.f32 v9, v1;
	v2 =	vmul.f32 v10, v2  }
0xf7: {  	v3 =	vmul.f32 v11, v3;
	v4 =	vmul.f32 v12, v4  }
0xf8: {  	v5 =	vmul.f32 v13, v5;
	v6 =	vmul.f32 v14, v6  }
0xf9: {  	v7 =	vmul.f32 v15, v7;
	v8 =	vmul.f32 v16, v8  }
0xfa: {  	v1 =	vadd.f32 v2, v1;
	v60 =	vadd.f32 v4, v3  }
0xfb: {  	s20 =	sadd.s32 $0x1, s20;
	v61 =	vadd.f32 v6, v5;
	v62 =	vadd.f32 v8, v7  }
0xfc: {  	p1 =	sne.s32 s20, $0x4  }
.Ltmp6:
0xfd: {  	v1 =	vadd.f32 v60, v1;
	v63 =	vadd.f32 v62, v61;
	(pc) =	sbr.rel @p1 .LBB2_9-.Ltmp6, $4  }
0xfe: {  	_ = 	snop  }
0xff: {  	v1 =	vadd.f32 v63, v1  }
0x100: {  	s7 =	sshra.s32 s7, $0x2  }
0x101: {  	s1 =	sadd.s32 $0x140, s1;
	s8 =	sadd.s32 $0xA00, s8;
	[tilespmem:v0+s7+$0x0 ss:$0x1] =	vst.idx.msk $0xffff, v1  }
.Ltmp7:
0x102: {  	(pc) =	sbr.rel @p0 .LBB2_14-.Ltmp7, $3  }
0x103: {  	_ =	sdelay $0x1  }
0x104: {  	s1 =	sadd.s32 s17, s11;
	s2 =	sadd.s32 $0x7A80, s18  }
0x105: {  	[hbm4b:s1+s4] =	stream.linear.scatter [tilespmem:s2], [sflag:$0x4], $0x500, $0x38;
	[tilespmem:$0x9D80] =	vst v63  }
.Ltmp8:
0x106: {  	(pc) =	sbr.rel .LBB2_4-.Ltmp8, $4  }
0x107: {  	_ = 	snop  }
0x108: {  	s0 =	sadd.s32 $0x1F0, s0  }
0x109: {  	s30 =	sadd.s32 $0x1, s30;
	s31 =	sadd.s32 $0xA00, s31;
	s14 =	sadd.s32 $0xA00, s14  }
0x10a: {  	[tilespmem:s22], [sflag:$0x3] =	stream.indirect.gather [hbm4b:s3+s19], $0x80, s0, s19, $0xb8;
	[tilespmem:$0x9D80] =	vst v63  }
.LBB2_15:
0x10b: {  	_ =	sfence.sel $0x180000  }
0x10c: {  	[bflag:$0x0] =	sbarrier.arrive $0xFFFF  }
0x10d: {  	_ =	strace $0x90000047  }
0x10e: {  	s0 =	stileid.u32;
	[bflag:$0x2] =	sbarrier.arrive $0xFFFF  }
0x10f: {  	p0 =	sne.s32 s0, $0x0;
	s0 =	rddreg [dreg:$0x5]  }
0x110: {  	s0 =	sadd.s32 @!p0 $0x100000, s0  }
0x111: {  	[sflag:s0] =	ssyncadd.tile.s32 @!p0 $0x1;
	_ =	shalt  }
.Lfunc_end2:
_tile_overlayer_lowered:
.L_overlay_start_2:
0x112: {  	(tag) =	ssettag $0x2  }
0x113: {  	s0 =	rddreg [dreg:$0x0];
	s2 =	stileid.u32  }
0x114: {  	s1 =	rddreg [dreg:$0x1];
	p0 =	sne.s32 s2, $0x0  }
0x115: {  	s3 =	rddreg [dreg:$0x2];
	[bflag:$0x3] =	sbarrier.arrive $0xFFFF;
	s2 =	simm.s32 @!p0 $0x1C05  }
0x116: {  	[timem:s3], [sflag:s2] =	dma.local @!p0 [hbm:s0], s1  }
0x117: {  	s0 =	simm.s32 @!p0 $0x5  }
0x118: {  	_ =	swait.ge @!p0 [sflag:s0], s1  }
0x119: {  	s1 =	ssub.s32 @!p0 $0x0, s1;
	[sflag:s0] =	ssyncset.done @!p0 $0x0  }
0x11a: {  	[sflag:s0] =	ssyncadd.s32 @!p0 s1  }
0x11b: {  	[bflag:$0x3] =	sbarrier.arrive $0xFFFF  }
0x11c: {  	_ =	shalt  }

</sc_bundles>
